<compile_context>
chip_gen: v7x
topology: tpu7x:2x2x1
jax: 0.10.2.dev20260603
libtpu: 0.0.44.dev20260713+nightly
codegen_flags: <defaults>
</compile_context>

<pallas_src>
import functools

import jax
import jax.numpy as jnp
from jax import lax
from jax.experimental import pallas as pl
from jax.experimental.pallas import tpu as pltpu
from jax.experimental.pallas import tpu_sc as plsc

_NC = 2
_NS = 16
_NW = _NC * _NS
_ECHUNK = 128

_BF = jnp.bfloat16
_F32 = jnp.float32


def _mm(a, w):
    return jnp.dot(a.astype(_BF), w.astype(_BF), preferred_element_type=_F32)


def _pq_body(x_ref, wa_ref, wb_ref, p_ref, q_ref):
    xb = x_ref[...]
    p_ref[...] = _mm(xb, wa_ref[...])
    q_ref[...] = _mm(xb, wb_ref[...])


def _compute_pq(x, wa, wb):
    n, d = x.shape
    blk = 2000
    grid = n // blk
    return pl.pallas_call(
        _pq_body,
        grid=(grid,),
        in_specs=[
            pl.BlockSpec((blk, d), lambda i: (i, 0)),
            pl.BlockSpec((d, d), lambda i: (0, 0)),
            pl.BlockSpec((d, d), lambda i: (0, 0)),
        ],
        out_specs=[
            pl.BlockSpec((blk, d), lambda i: (i, 0)),
            pl.BlockSpec((blk, d), lambda i: (i, 0)),
        ],
        out_shape=[
            jax.ShapeDtypeStruct((n, d), _F32),
            jax.ShapeDtypeStruct((n, d), _F32),
        ],
    )(x, wa, wb)


def _sc_gather(p, q, src, dst):
    e = src.shape[0]
    d = p.shape[1]
    nchunks = e // _ECHUNK
    niter = (nchunks + _NW - 1) // _NW
    mesh = plsc.VectorSubcoreMesh(core_axis_name="c", subcore_axis_name="s")

    @functools.partial(
        pl.kernel,
        mesh=mesh,
        out_type=(
            jax.ShapeDtypeStruct((e, d), _F32),
            jax.ShapeDtypeStruct((e, d), _F32),
        ),
        scratch_types=[
            pltpu.VMEM((_ECHUNK,), jnp.int32),
            pltpu.VMEM((_ECHUNK,), jnp.int32),
            pltpu.VMEM((_ECHUNK, d), _F32),
            pltpu.VMEM((_ECHUNK, d), _F32),
            pltpu.SemaphoreType.DMA,
            pltpu.SemaphoreType.DMA,
        ],
    )
    def k(p_hbm, q_hbm, src_hbm, dst_hbm, ps_hbm, qd_hbm,
          isrc, idst, bufp, bufq, sem1, sem2):
        wid = lax.axis_index("s") * _NC + lax.axis_index("c")

        @pl.loop(0, niter)
        def _(j):
            ck = j * _NW + wid

            @pl.when(ck < nchunks)
            def _():
                base = ck * _ECHUNK
                pltpu.sync_copy(src_hbm.at[pl.ds(base, _ECHUNK)], isrc)
                pltpu.sync_copy(dst_hbm.at[pl.ds(base, _ECHUNK)], idst)
                cp1 = pltpu.async_copy(p_hbm.at[isrc], bufp, sem1)
                cp2 = pltpu.async_copy(q_hbm.at[idst], bufq, sem2)
                cp1.wait()
                cp2.wait()
                pltpu.sync_copy(bufp, ps_hbm.at[pl.ds(base, _ECHUNK)])
                pltpu.sync_copy(bufq, qd_hbm.at[pl.ds(base, _ECHUNK)])

    return k(p, q, src, dst)


def _edge_body(ps_ref, qd_ref, ea_ref, w1c_ref, b1_ref, w2_ref, b2_ref,
               w3_ref, b3_ref, out_ref):
    ea = ea_ref[...]
    h1 = jnp.maximum(
        ps_ref[...] + qd_ref[...] + _mm(ea, w1c_ref[...]) + b1_ref[...], 0.0)
    h2 = jnp.maximum(_mm(h1, w2_ref[...]) + b2_ref[...], 0.0)
    out_ref[...] = ea + _mm(h2, w3_ref[...]) + b3_ref[...]


def _edge_mlp(ps, qd, ea, w1c, b1, w2, b2, w3, b3):
    e, d = ea.shape
    blk = 2560
    grid = e // blk
    wspec = pl.BlockSpec((d, d), lambda i: (0, 0))
    bspec = pl.BlockSpec((1, d), lambda i: (0, 0))
    espec = pl.BlockSpec((blk, d), lambda i: (i, 0))
    return pl.pallas_call(
        _edge_body,
        grid=(grid,),
        in_specs=[espec, espec, espec, wspec, bspec, wspec, bspec, wspec,
                  bspec],
        out_specs=espec,
        out_shape=jax.ShapeDtypeStruct((e, d), _F32),
    )(ps, qd, ea, w1c, b1.reshape(1, d), w2, b2.reshape(1, d), w3,
      b3.reshape(1, d))


def _sc_scatter(ea_new, dst, n):
    e, d = ea_new.shape
    nchunks = e // _ECHUNK
    per_core = nchunks // _NC
    niter = (per_core + _NS - 1) // _NS
    wtiles = 10
    rows_per_tile = n // wtiles
    zrows = 200
    mesh = plsc.VectorSubcoreMesh(core_axis_name="c", subcore_axis_name="s")

    @functools.partial(
        pl.kernel,
        mesh=mesh,
        out_type=jax.ShapeDtypeStruct((_NC, n, d), _F32),
        scratch_types=[
            pltpu.VMEM_SHARED((n, d), _F32),
            pltpu.VMEM((zrows, d), _F32),
            pltpu.VMEM((_ECHUNK,), jnp.int32),
            pltpu.VMEM((_ECHUNK, d), _F32),
        ],
    )
    def k(ean_hbm, dst_hbm, out_hbm, acc_shared, zbuf, idxv, rowsv):
        cid = lax.axis_index("c")
        sid = lax.axis_index("s")

        @pl.loop(0, zrows)
        def _(r):
            @pl.loop(0, d // 16)
            def _(c):
                zbuf[r, pl.ds(c * 16, 16)] = jnp.zeros((16,), _F32)

        @pl.when(sid < wtiles)
        def _():
            @pl.loop(0, rows_per_tile // zrows)
            def _(j):
                pltpu.sync_copy(
                    zbuf, acc_shared.at[pl.ds(sid * rows_per_tile + j * zrows,
                                              zrows)])

        plsc.subcore_barrier()

        @pl.loop(0, niter)
        def _(j):
            lck = j * _NS + sid

            @pl.when(lck < per_core)
            def _():
                base = (cid * per_core + lck) * _ECHUNK
                pltpu.sync_copy(dst_hbm.at[pl.ds(base, _ECHUNK)], idxv)
                pltpu.sync_copy(ean_hbm.at[pl.ds(base, _ECHUNK)], rowsv)
                pltpu.sync_copy(rowsv, acc_shared.at[idxv], add=True)

        plsc.subcore_barrier()

        @pl.when(sid < wtiles)
        def _():
            pltpu.sync_copy(
                acc_shared.at[pl.ds(sid * rows_per_tile, rows_per_tile)],
                out_hbm.at[cid, pl.ds(sid * rows_per_tile, rows_per_tile)])

    return k(ea_new, dst)


def _node_body(x_ref, p0_ref, p1_ref, w1a_ref, w1b_ref, b1_ref, w2_ref,
               b2_ref, w3_ref, b3_ref, out_ref):
    xv = x_ref[...]
    agg = p0_ref[0] + p1_ref[0]
    h1 = jnp.maximum(
        _mm(xv, w1a_ref[...]) + _mm(agg, w1b_ref[...]) + b1_ref[...], 0.0)
    h2 = jnp.maximum(_mm(h1, w2_ref[...]) + b2_ref[...], 0.0)
    out_ref[...] = xv + _mm(h2, w3_ref[...]) + b3_ref[...]


def _node_mlp(x, parts, w1a, w1b, b1, w2, b2, w3, b3):
    n, d = x.shape
    blk = 2000
    grid = n // blk
    nspec = pl.BlockSpec((blk, d), lambda i: (i, 0))
    pspec = pl.BlockSpec((1, blk, d), lambda i: (0, i, 0))
    wspec = pl.BlockSpec((d, d), lambda i: (0, 0))
    bspec = pl.BlockSpec((1, d), lambda i: (0, 0))
    return pl.pallas_call(
        _node_body,
        grid=(grid,),
        in_specs=[nspec, pspec, pspec, wspec, wspec, bspec, wspec, bspec,
                  wspec, bspec],
        out_specs=nspec,
        out_shape=jax.ShapeDtypeStruct((n, d), _F32),
    )(x, parts[0:1], parts[1:2], w1a, w1b, b1.reshape(1, d), w2,
      b2.reshape(1, d), w3, b3.reshape(1, d))


def kernel(x, edge_index, edge_attr, ew1, eb1, ew2, eb2, ew3, eb3,
           nw1, nb1, nw2, nb2, nw3, nb3):
    n, d = x.shape
    src = edge_index[0]
    dst = edge_index[1]
    p, q = _compute_pq(x, ew1[:d], ew1[d:2 * d])
    ps, qd = _sc_gather(p, q, src, dst)
    ea_new = _edge_mlp(ps, qd, edge_attr, ew1[2 * d:], eb1, ew2, eb2, ew3,
                       eb3)
    parts = _sc_scatter(ea_new, dst, n)
    x_new = _node_mlp(x, parts, nw1[:d], nw1[d:], nb1, nw2, nb2, nw3, nb3)
    return x_new, ea_new

# --- scband reference (transcript-rebuilt; emitter-appended) ---
"""Pipeline reference for scband-processor-2628519985703 (READ-ONLY COPY).

The authoritative reference and input builder live on the scoring server;
editing this copy changes nothing except your own understanding.
"""

import jax, jax.numpy as jnp
import numpy as np

N = 10000
E = 320000
D = 128


def _linear_params(key, fan_in, fan_out):
    kw, kb = jax.random.split(key)
    scale = 1.0 / np.sqrt(fan_in)
    w = jax.random.uniform(kw, (fan_in, fan_out), dtype=jnp.float32, minval=-scale, maxval=scale)
    b = jax.random.uniform(kb, (fan_out,), dtype=jnp.float32, minval=-scale, maxval=scale)
    return w, b


def setup_inputs(seed: int = 0):
    key = jax.random.key(seed)
    ks = jax.random.split(key, 10)
    x = jax.random.normal(ks[0], (N, D), dtype=jnp.float32)
    edge_index = jax.random.randint(ks[1], (2, E), 0, N, dtype=jnp.int32)
    edge_attr = jax.random.normal(ks[2], (E, D), dtype=jnp.float32)
    ew1, eb1 = _linear_params(ks[3], 3 * D, D)
    ew2, eb2 = _linear_params(ks[4], D, D)
    ew3, eb3 = _linear_params(ks[5], D, D)
    nw1, nb1 = _linear_params(ks[6], 2 * D, D)
    nw2, nb2 = _linear_params(ks[7], D, D)
    nw3, nb3 = _linear_params(ks[8], D, D)
    return {
        "x": x, "edge_index": edge_index, "edge_attr": edge_attr,
        "ew1": ew1, "eb1": eb1, "ew2": ew2, "eb2": eb2, "ew3": ew3, "eb3": eb3,
        "nw1": nw1, "nb1": nb1, "nw2": nw2, "nb2": nb2, "nw3": nw3, "nb3": nb3,
    }


def _mlp(h, w1, b1, w2, b2, w3, b3):
    h = jax.nn.relu(h @ w1 + b1)
    h = jax.nn.relu(h @ w2 + b2)
    return h @ w3 + b3


def reference(x, edge_index, edge_attr, ew1, eb1, ew2, eb2, ew3, eb3, nw1, nb1, nw2, nb2, nw3, nb3):
    src = edge_index[0]
    dst = edge_index[1]
    edge_cat = jnp.concatenate([x[src], x[dst], edge_attr], axis=-1)
    edge_delta = _mlp(edge_cat, ew1, eb1, ew2, eb2, ew3, eb3)
    edge_attr_new = edge_attr + edge_delta
    agg = jnp.zeros((x.shape[0], edge_attr_new.shape[1]), dtype=edge_attr_new.dtype).at[dst].add(edge_attr_new)
    node_cat = jnp.concatenate([x, agg], axis=-1)
    node_delta = _mlp(node_cat, nw1, nb1, nw2, nb2, nw3, nb3)
    x_new = x + node_delta
    return (x_new, edge_attr_new)

if __name__ == "__main__":
    import jax
    _d = setup_inputs()
    print(jax.jit(kernel)(*tuple(_d.values())))

</pallas_src>

<mosaic_0001>
#map = affine_map<(d0, d1) -> (0, 0)>
#map1 = affine_map<(d0, d1) -> (0)>
module attributes {stable_mosaic.version = 14 : i64} {
  func.func @k(%arg0: i32, %arg1: i32, %arg2: memref<10000x128xf32, #tpu.memory_space<hbm>>, %arg3: memref<10000x128xf32, #tpu.memory_space<hbm>>, %arg4: memref<320000xi32, #tpu.memory_space<hbm>>, %arg5: memref<320000xi32, #tpu.memory_space<hbm>>, %arg6: memref<320000x128xf32, #tpu.memory_space<hbm>>, %arg7: memref<320000x128xf32, #tpu.memory_space<hbm>>, %arg8: memref<128xi32, #tpu.memory_space<vmem>>, %arg9: memref<128xi32, #tpu.memory_space<vmem>>, %arg10: memref<128x128xf32, #tpu.memory_space<vmem>>, %arg11: memref<128x128xf32, #tpu.memory_space<vmem>>, %arg12: memref<!tpu.dma_semaphore, #tpu.memory_space<semaphore_mem>>, %arg13: memref<!tpu.dma_semaphore, #tpu.memory_space<semaphore_mem>>) attributes {dimension_semantics = [#tpu.dimension_semantics<core_parallel>, #tpu.dimension_semantics<subcore_parallel>], iteration_bounds = array<i64: 2, 16>, scalar_prefetch = 0 : i64, scratch_operands = 6 : i64, tpu.core_type = #tpu.core_type<sc_vector_subcore>, window_params = [{transform_indices = #map}, {transform_indices = #map}, {transform_indices = #map1}, {transform_indices = #map1}, {transform_indices = #map}, {transform_indices = #map}]} {
    %mul3A = arith.constant 2 : i32
    %mul3A_0 = arith.muli %arg1, %mul3A : i32
    %add3A = arith.addi %mul3A_0, %arg0 : i32
    %scan3A = arith.constant 0 : i32
    %scan3A_1 = arith.constant 79 : i32
    %scan3A_2 = arith.addi %scan3A, %scan3A_1 : i32
    %scan3A_3 = arith.constant 1 : i32
    scf.for %scan3A_5 = %scan3A to %scan3A_2 step %scan3A_3  : i32 {
      %mul3A_6 = arith.constant 1 : i32
      %mul3A_7 = arith.muli %scan3A_5, %mul3A_6 : i32
      %add3A_8 = arith.constant 0 : i32
      %add3A_9 = arith.addi %add3A_8, %mul3A_7 : i32
      %mul3A_10 = arith.constant 32 : i32
      %mul3A_11 = arith.muli %add3A_9, %mul3A_10 : i32
      %add3A_12 = arith.addi %mul3A_11, %add3A : i32
      %lt3A = arith.constant 2500 : i32
      %lt3A_13 = arith.cmpi slt, %add3A_12, %lt3A : i32
      %convert_element_type3A = arith.extui %lt3A_13 : i1 to i32
      %cond3A = arith.constant 0 : i32
      %cond3A_14 = arith.cmpi ne, %convert_element_type3A, %cond3A : i32
      scf.if %cond3A_14 {
        %mul3A_15 = arith.constant 128 : i32
        %mul3A_16 = arith.muli %add3A_12, %mul3A_15 : i32
        "tpu.region"() ({
          %run_scoped3A = tpu.sem_alloc : memref<!tpu.dma_semaphore, #tpu.memory_space<semaphore_mem>>
          %dma_start3A_27 = tpu.memref_slice %arg4[%mul3A_16] : memref<320000xi32, #tpu.memory_space<hbm>> -> memref<128xi32, #tpu.memory_space<hbm>>
          %dma_start3A_28 = tpu.memref_slice %arg4[%mul3A_16] : memref<320000xi32, #tpu.memory_space<hbm>> -> memref<128xi32, #tpu.memory_space<hbm>>
          tpu.enqueue_dma source(%dma_start3A_28 : memref<128xi32, #tpu.memory_space<hbm>>) target(%arg8 : memref<128xi32, #tpu.memory_space<vmem>>) target_semaphore(%run_scoped3A : memref<!tpu.dma_semaphore, #tpu.memory_space<semaphore_mem>>)
          %dma_wait3A_29 = tpu.memref_slice %arg4[%mul3A_16] : memref<320000xi32, #tpu.memory_space<hbm>> -> memref<128xi32, #tpu.memory_space<hbm>>
          %dma_wait3A_30 = tpu.memref_slice %arg4[%mul3A_16] : memref<320000xi32, #tpu.memory_space<hbm>> -> memref<128xi32, #tpu.memory_space<hbm>>
          tpu.wait_dma2 semaphore(%run_scoped3A : memref<!tpu.dma_semaphore, #tpu.memory_space<semaphore_mem>>) src(%dma_wait3A_30 : memref<128xi32, #tpu.memory_space<hbm>>) dst(%arg8 : memref<128xi32, #tpu.memory_space<vmem>>)
          tpu.yield
        }) : () -> ()
        "tpu.region"() ({
          %run_scoped3A = tpu.sem_alloc : memref<!tpu.dma_semaphore, #tpu.memory_space<semaphore_mem>>
          %dma_start3A_27 = tpu.memref_slice %arg5[%mul3A_16] : memref<320000xi32, #tpu.memory_space<hbm>> -> memref<128xi32, #tpu.memory_space<hbm>>
          %dma_start3A_28 = tpu.memref_slice %arg5[%mul3A_16] : memref<320000xi32, #tpu.memory_space<hbm>> -> memref<128xi32, #tpu.memory_space<hbm>>
          tpu.enqueue_dma source(%dma_start3A_28 : memref<128xi32, #tpu.memory_space<hbm>>) target(%arg9 : memref<128xi32, #tpu.memory_space<vmem>>) target_semaphore(%run_scoped3A : memref<!tpu.dma_semaphore, #tpu.memory_space<semaphore_mem>>)
          %dma_wait3A_29 = tpu.memref_slice %arg5[%mul3A_16] : memref<320000xi32, #tpu.memory_space<hbm>> -> memref<128xi32, #tpu.memory_space<hbm>>
          %dma_wait3A_30 = tpu.memref_slice %arg5[%mul3A_16] : memref<320000xi32, #tpu.memory_space<hbm>> -> memref<128xi32, #tpu.memory_space<hbm>>
          tpu.wait_dma2 semaphore(%run_scoped3A : memref<!tpu.dma_semaphore, #tpu.memory_space<semaphore_mem>>) src(%dma_wait3A_30 : memref<128xi32, #tpu.memory_space<hbm>>) dst(%arg9 : memref<128xi32, #tpu.memory_space<vmem>>)
          tpu.yield
        }) : () -> ()
        %dma_start3A = arith.constant 0 : i32
        %dma_start3A_17 = arith.constant 0 : i32
        %dma_start3A_18 = tpu.memref_slice %arg2[%dma_start3A, %dma_start3A_17] : memref<10000x128xf32, #tpu.memory_space<hbm>> -> memref<10000x128xf32, #tpu.memory_space<hbm>>
        tpu.enqueue_indirect_dma source(%dma_start3A_18 : memref<10000x128xf32, #tpu.memory_space<hbm>>) target(%arg10 : memref<128x128xf32, #tpu.memory_space<vmem>>) offsets(%arg8 : memref<128xi32, #tpu.memory_space<vmem>>) semaphore(%arg12 : memref<!tpu.dma_semaphore, #tpu.memory_space<semaphore_mem>>)
        %dma_start3A_19 = arith.constant 0 : i32
        %dma_start3A_20 = arith.constant 0 : i32
        %dma_start3A_21 = tpu.memref_slice %arg3[%dma_start3A_19, %dma_start3A_20] : memref<10000x128xf32, #tpu.memory_space<hbm>> -> memref<10000x128xf32, #tpu.memory_space<hbm>>
        tpu.enqueue_indirect_dma source(%dma_start3A_21 : memref<10000x128xf32, #tpu.memory_space<hbm>>) target(%arg11 : memref<128x128xf32, #tpu.memory_space<vmem>>) offsets(%arg9 : memref<128xi32, #tpu.memory_space<vmem>>) semaphore(%arg13 : memref<!tpu.dma_semaphore, #tpu.memory_space<semaphore_mem>>)
        %dma_wait3A = arith.constant 0 : i32
        %dma_wait3A_22 = arith.constant 0 : i32
        %dma_wait3A_23 = tpu.memref_slice %arg2[%dma_wait3A, %dma_wait3A_22] : memref<10000x128xf32, #tpu.memory_space<hbm>> -> memref<10000x128xf32, #tpu.memory_space<hbm>>
        tpu.wait_indirect_dma semaphore(%arg12 : memref<!tpu.dma_semaphore, #tpu.memory_space<semaphore_mem>>) src(%dma_wait3A_23 : memref<10000x128xf32, #tpu.memory_space<hbm>>) dst(%arg10 : memref<128x128xf32, #tpu.memory_space<vmem>>)
        %dma_wait3A_24 = arith.constant 0 : i32
        %dma_wait3A_25 = arith.constant 0 : i32
        %dma_wait3A_26 = tpu.memref_slice %arg3[%dma_wait3A_24, %dma_wait3A_25] : memref<10000x128xf32, #tpu.memory_space<hbm>> -> memref<10000x128xf32, #tpu.memory_space<hbm>>
        tpu.wait_indirect_dma semaphore(%arg13 : memref<!tpu.dma_semaphore, #tpu.memory_space<semaphore_mem>>) src(%dma_wait3A_26 : memref<10000x128xf32, #tpu.memory_space<hbm>>) dst(%arg11 : memref<128x128xf32, #tpu.memory_space<vmem>>)
        "tpu.region"() ({
          %run_scoped3A = tpu.sem_alloc : memref<!tpu.dma_semaphore, #tpu.memory_space<semaphore_mem>>
          %dma_start3A_27 = arith.constant 0 : i32
          %dma_start3A_28 = tpu.memref_slice %arg6[%mul3A_16, %dma_start3A_27] : memref<320000x128xf32, #tpu.memory_space<hbm>> -> memref<128x128xf32, #tpu.memory_space<hbm>>
          %dma_start3A_29 = arith.constant 0 : i32
          %dma_start3A_30 = tpu.memref_slice %arg6[%mul3A_16, %dma_start3A_29] : memref<320000x128xf32, #tpu.memory_space<hbm>> -> memref<128x128xf32, #tpu.memory_space<hbm>>
          tpu.enqueue_dma source(%arg10 : memref<128x128xf32, #tpu.memory_space<vmem>>) target(%dma_start3A_30 : memref<128x128xf32, #tpu.memory_space<hbm>>) target_semaphore(%run_scoped3A : memref<!tpu.dma_semaphore, #tpu.memory_space<semaphore_mem>>)
          %dma_wait3A_31 = arith.constant 0 : i32
          %dma_wait3A_32 = tpu.memref_slice %arg6[%mul3A_16, %dma_wait3A_31] : memref<320000x128xf32, #tpu.memory_space<hbm>> -> memref<128x128xf32, #tpu.memory_space<hbm>>
          %dma_wait3A_33 = arith.constant 0 : i32
          %dma_wait3A_34 = tpu.memref_slice %arg6[%mul3A_16, %dma_wait3A_33] : memref<320000x128xf32, #tpu.memory_space<hbm>> -> memref<128x128xf32, #tpu.memory_space<hbm>>
          tpu.wait_dma2 semaphore(%run_scoped3A : memref<!tpu.dma_semaphore, #tpu.memory_space<semaphore_mem>>) src(%arg10 : memref<128x128xf32, #tpu.memory_space<vmem>>) dst(%dma_wait3A_34 : memref<128x128xf32, #tpu.memory_space<hbm>>)
          tpu.yield
        }) : () -> ()
        "tpu.region"() ({
          %run_scoped3A = tpu.sem_alloc : memref<!tpu.dma_semaphore, #tpu.memory_space<semaphore_mem>>
          %dma_start3A_27 = arith.constant 0 : i32
          %dma_start3A_28 = tpu.memref_slice %arg7[%mul3A_16, %dma_start3A_27] : memref<320000x128xf32, #tpu.memory_space<hbm>> -> memref<128x128xf32, #tpu.memory_space<hbm>>
          %dma_start3A_29 = arith.constant 0 : i32
          %dma_start3A_30 = tpu.memref_slice %arg7[%mul3A_16, %dma_start3A_29] : memref<320000x128xf32, #tpu.memory_space<hbm>> -> memref<128x128xf32, #tpu.memory_space<hbm>>
          tpu.enqueue_dma source(%arg11 : memref<128x128xf32, #tpu.memory_space<vmem>>) target(%dma_start3A_30 : memref<128x128xf32, #tpu.memory_space<hbm>>) target_semaphore(%run_scoped3A : memref<!tpu.dma_semaphore, #tpu.memory_space<semaphore_mem>>)
          %dma_wait3A_31 = arith.constant 0 : i32
          %dma_wait3A_32 = tpu.memref_slice %arg7[%mul3A_16, %dma_wait3A_31] : memref<320000x128xf32, #tpu.memory_space<hbm>> -> memref<128x128xf32, #tpu.memory_space<hbm>>
          %dma_wait3A_33 = arith.constant 0 : i32
          %dma_wait3A_34 = tpu.memref_slice %arg7[%mul3A_16, %dma_wait3A_33] : memref<320000x128xf32, #tpu.memory_space<hbm>> -> memref<128x128xf32, #tpu.memory_space<hbm>>
          tpu.wait_dma2 semaphore(%run_scoped3A : memref<!tpu.dma_semaphore, #tpu.memory_space<semaphore_mem>>) src(%arg11 : memref<128x128xf32, #tpu.memory_space<vmem>>) dst(%dma_wait3A_34 : memref<128x128xf32, #tpu.memory_space<hbm>>)
          tpu.yield
        }) : () -> ()
      } else {
      }
    }
    %scan3A_4 = arith.constant 79 : i32
    return
  }
}

#map = affine_map<(d0, d1) -> (0, 0)>
#map1 = affine_map<(d0, d1) -> (0)>
#map2 = affine_map<(d0, d1) -> (0, 0, 0)>
module attributes {stable_mosaic.version = 14 : i64} {
  func.func @k(%arg0: i32, %arg1: i32, %arg2: memref<320000x128xf32, #tpu.memory_space<hbm>>, %arg3: memref<320000xi32, #tpu.memory_space<hbm>>, %arg4: memref<2x10000x128xf32, #tpu.memory_space<hbm>>, %arg5: memref<10000x128xf32, #tpu.memory_space<vmem_shared>>, %arg6: memref<200x128xf32, #tpu.memory_space<vmem>>, %arg7: memref<128xi32, #tpu.memory_space<vmem>>, %arg8: memref<128x128xf32, #tpu.memory_space<vmem>>) attributes {dimension_semantics = [#tpu.dimension_semantics<core_parallel>, #tpu.dimension_semantics<subcore_parallel>], iteration_bounds = array<i64: 2, 16>, scalar_prefetch = 0 : i64, scratch_operands = 4 : i64, tpu.core_type = #tpu.core_type<sc_vector_subcore>, window_params = [{transform_indices = #map}, {transform_indices = #map1}, {transform_indices = #map2}]} {
    %scan3A = arith.constant 0 : i32
    %scan3A_0 = arith.constant 200 : i32
    %scan3A_1 = arith.addi %scan3A, %scan3A_0 : i32
    %scan3A_2 = arith.constant 1 : i32
    scf.for %scan3A_17 = %scan3A to %scan3A_1 step %scan3A_2  : i32 {
      %mul3A = arith.constant 1 : i32
      %mul3A_18 = arith.muli %scan3A_17, %mul3A : i32
      %add3A = arith.constant 0 : i32
      %add3A_19 = arith.addi %add3A, %mul3A_18 : i32
      %scan3A_20 = arith.constant 0 : i32
      %scan3A_21 = arith.constant 8 : i32
      %scan3A_22 = arith.addi %scan3A_20, %scan3A_21 : i32
      %scan3A_23 = arith.constant 1 : i32
      scf.for %scan3A_25 = %scan3A_20 to %scan3A_22 step %scan3A_23  : i32 {
        %mul3A_26 = arith.constant 1 : i32
        %mul3A_27 = arith.muli %scan3A_25, %mul3A_26 : i32
        %add3A_28 = arith.constant 0 : i32
        %add3A_29 = arith.addi %add3A_28, %mul3A_27 : i32
        %broadcast_in_dim3A = arith.constant 0.000000e+00 : f32
        %broadcast_in_dim3A_30 = vector.broadcast %broadcast_in_dim3A : f32 to vector<16xf32>
        %mul3A_31 = arith.constant 16 : i32
        %mul3A_32 = arith.muli %add3A_29, %mul3A_31 : i32
        %swap3A = arith.index_cast %add3A_19 : i32 to index
        %swap3A_33 = arith.index_cast %mul3A_32 : i32 to index
        %swap3A_34 = tpu.vector_load %arg6[%swap3A, %swap3A_33] {strides = array<i32>} : memref<200x128xf32, #tpu.memory_space<vmem>>, vector<1x16xf32>,
        %swap3A_35 = vector.shape_cast %swap3A_34 : vector<1x16xf32> to vector<16xf32>
        %swap3A_36 = vector.shape_cast %broadcast_in_dim3A_30 : vector<16xf32> to vector<1x16xf32>
        tpu.vector_store %arg6[%swap3A, %swap3A_33], %swap3A_36 {strides = array<i32>} : memref<200x128xf32, #tpu.memory_space<vmem>>, vector<1x16xf32>,
      }
      %scan3A_24 = arith.constant 8 : i32
    }
    %scan3A_3 = arith.constant 200 : i32
    %lt3A = arith.constant 10 : i32
    %lt3A_4 = arith.cmpi slt, %arg1, %lt3A : i32
    %convert_element_type3A = arith.extui %lt3A_4 : i1 to i32
    %cond3A = arith.constant 0 : i32
    %cond3A_5 = arith.cmpi ne, %convert_element_type3A, %cond3A : i32
    scf.if %cond3A_5 {
      %scan3A_17 = arith.constant 0 : i32
      %scan3A_18 = arith.constant 5 : i32
      %scan3A_19 = arith.addi %scan3A_17, %scan3A_18 : i32
      %scan3A_20 = arith.constant 1 : i32
      scf.for %scan3A_22 = %scan3A_17 to %scan3A_19 step %scan3A_20  : i32 {
        %mul3A = arith.constant 1 : i32
        %mul3A_23 = arith.muli %scan3A_22, %mul3A : i32
        %add3A = arith.constant 0 : i32
        %add3A_24 = arith.addi %add3A, %mul3A_23 : i32
        %mul3A_25 = arith.constant 1000 : i32
        %mul3A_26 = arith.muli %arg1, %mul3A_25 : i32
        %mul3A_27 = arith.constant 200 : i32
        %mul3A_28 = arith.muli %add3A_24, %mul3A_27 : i32
        %add3A_29 = arith.addi %mul3A_26, %mul3A_28 : i32
        "tpu.region"() ({
          %run_scoped3A = tpu.sem_alloc : memref<!tpu.dma_semaphore, #tpu.memory_space<semaphore_mem>>
          %dma_start3A = arith.constant 0 : i32
          %dma_start3A_30 = tpu.memref_slice %arg5[%add3A_29, %dma_start3A] : memref<10000x128xf32, #tpu.memory_space<vmem_shared>> -> memref<200x128xf32, #tpu.memory_space<vmem_shared>>
          %dma_start3A_31 = arith.constant 0 : i32
          %dma_start3A_32 = tpu.memref_slice %arg5[%add3A_29, %dma_start3A_31] : memref<10000x128xf32, #tpu.memory_space<vmem_shared>> -> memref<200x128xf32, #tpu.memory_space<vmem_shared>>
          tpu.enqueue_dma source(%arg6 : memref<200x128xf32, #tpu.memory_space<vmem>>) target(%dma_start3A_32 : memref<200x128xf32, #tpu.memory_space<vmem_shared>>) target_semaphore(%run_scoped3A : memref<!tpu.dma_semaphore, #tpu.memory_space<semaphore_mem>>)
          %dma_wait3A = arith.constant 0 : i32
          %dma_wait3A_33 = tpu.memref_slice %arg5[%add3A_29, %dma_wait3A] : memref<10000x128xf32, #tpu.memory_space<vmem_shared>> -> memref<200x128xf32, #tpu.memory_space<vmem_shared>>
          %dma_wait3A_34 = arith.constant 0 : i32
          %dma_wait3A_35 = tpu.memref_slice %arg5[%add3A_29, %dma_wait3A_34] : memref<10000x128xf32, #tpu.memory_space<vmem_shared>> -> memref<200x128xf32, #tpu.memory_space<vmem_shared>>
          tpu.wait_dma2 semaphore(%run_scoped3A : memref<!tpu.dma_semaphore, #tpu.memory_space<semaphore_mem>>) src(%arg6 : memref<200x128xf32, #tpu.memory_space<vmem>>) dst(%dma_wait3A_35 : memref<200x128xf32, #tpu.memory_space<vmem_shared>>)
          tpu.yield
        }) : () -> ()
      }
      %scan3A_21 = arith.constant 5 : i32
    } else {
    }
    %barrier3A = arith.constant 0 : index
    tpu.barrier barrier_id(%barrier3A)
    %scan3A_6 = arith.constant 0 : i32
    %scan3A_7 = arith.constant 79 : i32
    %scan3A_8 = arith.addi %scan3A_6, %scan3A_7 : i32
    %scan3A_9 = arith.constant 1 : i32
    scf.for %scan3A_17 = %scan3A_6 to %scan3A_8 step %scan3A_9  : i32 {
      %mul3A = arith.constant 1 : i32
      %mul3A_18 = arith.muli %scan3A_17, %mul3A : i32
      %add3A = arith.constant 0 : i32
      %add3A_19 = arith.addi %add3A, %mul3A_18 : i32
      %mul3A_20 = arith.constant 16 : i32
      %mul3A_21 = arith.muli %add3A_19, %mul3A_20 : i32
      %add3A_22 = arith.addi %mul3A_21, %arg1 : i32
      %lt3A_23 = arith.constant 1250 : i32
      %lt3A_24 = arith.cmpi slt, %add3A_22, %lt3A_23 : i32
      %convert_element_type3A_25 = arith.extui %lt3A_24 : i1 to i32
      %cond3A_26 = arith.constant 0 : i32
      %cond3A_27 = arith.cmpi ne, %convert_element_type3A_25, %cond3A_26 : i32
      scf.if %cond3A_27 {
        %mul3A_28 = arith.constant 1250 : i32
        %mul3A_29 = arith.muli %arg0, %mul3A_28 : i32
        %add3A_30 = arith.addi %mul3A_29, %add3A_22 : i32
        %mul3A_31 = arith.constant 128 : i32
        %mul3A_32 = arith.muli %add3A_30, %mul3A_31 : i32
        "tpu.region"() ({
          %run_scoped3A = tpu.sem_alloc : memref<!tpu.dma_semaphore, #tpu.memory_space<semaphore_mem>>
          %dma_start3A = tpu.memref_slice %arg3[%mul3A_32] : memref<320000xi32, #tpu.memory_space<hbm>> -> memref<128xi32, #tpu.memory_space<hbm>>
          %dma_start3A_33 = tpu.memref_slice %arg3[%mul3A_32] : memref<320000xi32, #tpu.memory_space<hbm>> -> memref<128xi32, #tpu.memory_space<hbm>>
          tpu.enqueue_dma source(%dma_start3A_33 : memref<128xi32, #tpu.memory_space<hbm>>) target(%arg7 : memref<128xi32, #tpu.memory_space<vmem>>) target_semaphore(%run_scoped3A : memref<!tpu.dma_semaphore, #tpu.memory_space<semaphore_mem>>)
          %dma_wait3A = tpu.memref_slice %arg3[%mul3A_32] : memref<320000xi32, #tpu.memory_space<hbm>> -> memref<128xi32, #tpu.memory_space<hbm>>
          %dma_wait3A_34 = tpu.memref_slice %arg3[%mul3A_32] : memref<320000xi32, #tpu.memory_space<hbm>> -> memref<128xi32, #tpu.memory_space<hbm>>
          tpu.wait_dma2 semaphore(%run_scoped3A : memref<!tpu.dma_semaphore, #tpu.memory_space<semaphore_mem>>) src(%dma_wait3A_34 : memref<128xi32, #tpu.memory_space<hbm>>) dst(%arg7 : memref<128xi32, #tpu.memory_space<vmem>>)
          tpu.yield
        }) : () -> ()
        "tpu.region"() ({
          %run_scoped3A = tpu.sem_alloc : memref<!tpu.dma_semaphore, #tpu.memory_space<semaphore_mem>>
          %dma_start3A = arith.constant 0 : i32
          %dma_start3A_33 = tpu.memref_slice %arg2[%mul3A_32, %dma_start3A] : memref<320000x128xf32, #tpu.memory_space<hbm>> -> memref<128x128xf32, #tpu.memory_space<hbm>>
          %dma_start3A_34 = arith.constant 0 : i32
          %dma_start3A_35 = tpu.memref_slice %arg2[%mul3A_32, %dma_start3A_34] : memref<320000x128xf32, #tpu.memory_space<hbm>> -> memref<128x128xf32, #tpu.memory_space<hbm>>
          tpu.enqueue_dma source(%dma_start3A_35 : memref<128x128xf32, #tpu.memory_space<hbm>>) target(%arg8 : memref<128x128xf32, #tpu.memory_space<vmem>>) target_semaphore(%run_scoped3A : memref<!tpu.dma_semaphore, #tpu.memory_space<semaphore_mem>>)
          %dma_wait3A = arith.constant 0 : i32
          %dma_wait3A_36 = tpu.memref_slice %arg2[%mul3A_32, %dma_wait3A] : memref<320000x128xf32, #tpu.memory_space<hbm>> -> memref<128x128xf32, #tpu.memory_space<hbm>>
          %dma_wait3A_37 = arith.constant 0 : i32
          %dma_wait3A_38 = tpu.memref_slice %arg2[%mul3A_32, %dma_wait3A_37] : memref<320000x128xf32, #tpu.memory_space<hbm>> -> memref<128x128xf32, #tpu.memory_space<hbm>>
          tpu.wait_dma2 semaphore(%run_scoped3A : memref<!tpu.dma_semaphore, #tpu.memory_space<semaphore_mem>>) src(%dma_wait3A_38 : memref<128x128xf32, #tpu.memory_space<hbm>>) dst(%arg8 : memref<128x128xf32, #tpu.memory_space<vmem>>)
          tpu.yield
        }) : () -> ()
        "tpu.region"() ({
          %run_scoped3A = tpu.sem_alloc : memref<!tpu.dma_semaphore, #tpu.memory_space<semaphore_mem>>
          %dma_start3A = arith.constant 0 : i32
          %dma_start3A_33 = arith.constant 0 : i32
          %dma_start3A_34 = tpu.memref_slice %arg5[%dma_start3A, %dma_start3A_33] : memref<10000x128xf32, #tpu.memory_space<vmem_shared>> -> memref<10000x128xf32, #tpu.memory_space<vmem_shared>>
          tpu.enqueue_indirect_dma source(%arg8 : memref<128x128xf32, #tpu.memory_space<vmem>>) target(%dma_start3A_34 : memref<10000x128xf32, #tpu.memory_space<vmem_shared>>) offsets(%arg7 : memref<128xi32, #tpu.memory_space<vmem>>) semaphore(%run_scoped3A : memref<!tpu.dma_semaphore, #tpu.memory_space<semaphore_mem>>) {add = true}
          %dma_wait3A = arith.constant 0 : i32
          %dma_wait3A_35 = arith.constant 0 : i32
          %dma_wait3A_36 = tpu.memref_slice %arg5[%dma_wait3A, %dma_wait3A_35] : memref<10000x128xf32, #tpu.memory_space<vmem_shared>> -> memref<10000x128xf32, #tpu.memory_space<vmem_shared>>
          tpu.wait_indirect_dma semaphore(%run_scoped3A : memref<!tpu.dma_semaphore, #tpu.memory_space<semaphore_mem>>) src(%arg8 : memref<128x128xf32, #tpu.memory_space<vmem>>) dst(%dma_wait3A_36 : memref<10000x128xf32, #tpu.memory_space<vmem_shared>>)
          tpu.yield
        }) : () -> ()
      } else {
      }
    }
    %scan3A_10 = arith.constant 79 : i32
    %barrier3A_11 = arith.constant 0 : index
    tpu.barrier barrier_id(%barrier3A_11)
    %lt3A_12 = arith.constant 10 : i32
    %lt3A_13 = arith.cmpi slt, %arg1, %lt3A_12 : i32
    %convert_element_type3A_14 = arith.extui %lt3A_13 : i1 to i32
    %cond3A_15 = arith.constant 0 : i32
    %cond3A_16 = arith.cmpi ne, %convert_element_type3A_14, %cond3A_15 : i32
    scf.if %cond3A_16 {
      %mul3A = arith.constant 1000 : i32
      %mul3A_17 = arith.muli %arg1, %mul3A : i32
      %mul3A_18 = arith.constant 1000 : i32
      %mul3A_19 = arith.muli %arg1, %mul3A_18 : i32
      "tpu.region"() ({
        %run_scoped3A = tpu.sem_alloc : memref<!tpu.dma_semaphore, #tpu.memory_space<semaphore_mem>>
        %dma_start3A = arith.constant 0 : i32
        %dma_start3A_20 = tpu.memref_slice %arg4[%arg0, %mul3A_19, %dma_start3A] : memref<2x10000x128xf32, #tpu.memory_space<hbm>> -> memref<1x1000x128xf32, #tpu.memory_space<hbm>>
        %dma_start3A_21 = tpu.memref_squeeze %dma_start3A_20 : memref<1x1000x128xf32, #tpu.memory_space<hbm>> -> memref<1000x128xf32, #tpu.memory_space<hbm>>
        %dma_start3A_22 = arith.constant 0 : i32
        %dma_start3A_23 = tpu.memref_slice %arg5[%mul3A_17, %dma_start3A_22] : memref<10000x128xf32, #tpu.memory_space<vmem_shared>> -> memref<1000x128xf32, #tpu.memory_space<vmem_shared>>
        tpu.enqueue_dma source(%dma_start3A_23 : memref<1000x128xf32, #tpu.memory_space<vmem_shared>>) target(%dma_start3A_21 : memref<1000x128xf32, #tpu.memory_space<hbm>>) target_semaphore(%run_scoped3A : memref<!tpu.dma_semaphore, #tpu.memory_space<semaphore_mem>>)
        %dma_wait3A = arith.constant 0 : i32
        %dma_wait3A_24 = tpu.memref_slice %arg4[%arg0, %mul3A_19, %dma_wait3A] : memref<2x10000x128xf32, #tpu.memory_space<hbm>> -> memref<1x1000x128xf32, #tpu.memory_space<hbm>>
        %dma_wait3A_25 = tpu.memref_squeeze %dma_wait3A_24 : memref<1x1000x128xf32, #tpu.memory_space<hbm>> -> memref<1000x128xf32, #tpu.memory_space<hbm>>
        %dma_wait3A_26 = arith.constant 0 : i32
        %dma_wait3A_27 = tpu.memref_slice %arg5[%mul3A_17, %dma_wait3A_26] : memref<10000x128xf32, #tpu.memory_space<vmem_shared>> -> memref<1000x128xf32, #tpu.memory_space<vmem_shared>>
        tpu.wait_dma2 semaphore(%run_scoped3A : memref<!tpu.dma_semaphore, #tpu.memory_space<semaphore_mem>>) src(%dma_wait3A_27 : memref<1000x128xf32, #tpu.memory_space<vmem_shared>>) dst(%dma_wait3A_25 : memref<1000x128xf32, #tpu.memory_space<hbm>>)
        tpu.yield
      }) : () -> ()
    } else {
    }
    return
  }
}

module attributes {stable_mosaic.version = 14 : i64} {
  func.func @_edge_body(%arg0: i32, %arg1: memref<2560x128xf32, #tpu.memory_space<vmem>>, %arg2: memref<2560x128xf32, #tpu.memory_space<vmem>>, %arg3: memref<2560x128xf32, #tpu.memory_space<vmem>>, %arg4: memref<128x128xf32, #tpu.memory_space<vmem>>, %arg5: memref<1x128xf32, #tpu.memory_space<vmem>>, %arg6: memref<128x128xf32, #tpu.memory_space<vmem>>, %arg7: memref<1x128xf32, #tpu.memory_space<vmem>>, %arg8: memref<128x128xf32, #tpu.memory_space<vmem>>, %arg9: memref<1x128xf32, #tpu.memory_space<vmem>>, %arg10: memref<2560x128xf32, #tpu.memory_space<vmem>>) attributes {dimension_semantics = [#tpu.dimension_semantics<arbitrary>], iteration_bounds = array<i64: 125>, scalar_prefetch = 0 : i64, scratch_operands = 0 : i64, tpu.core_type = #tpu.core_type<tc>, window_params = [{transform_indices = @transform_0, window_bounds = array<i64: 2560, 128>}, {transform_indices = @transform_1, window_bounds = array<i64: 2560, 128>}, {transform_indices = @transform_2, window_bounds = array<i64: 2560, 128>}, {pipeline_mode = #tpu.pipeline_mode<synchronous>, transform_indices = @transform_3, window_bounds = array<i64: 128, 128>}, {pipeline_mode = #tpu.pipeline_mode<synchronous>, transform_indices = @transform_4, window_bounds = array<i64: 1, 128>}, {pipeline_mode = #tpu.pipeline_mode<synchronous>, transform_indices = @transform_5, window_bounds = array<i64: 128, 128>}, {pipeline_mode = #tpu.pipeline_mode<synchronous>, transform_indices = @transform_6, window_bounds = array<i64: 1, 128>}, {pipeline_mode = #tpu.pipeline_mode<synchronous>, transform_indices = @transform_7, window_bounds = array<i64: 128, 128>}, {pipeline_mode = #tpu.pipeline_mode<synchronous>, transform_indices = @transform_8, window_bounds = array<i64: 1, 128>}, {transform_indices = @transform_9, window_bounds = array<i64: 2560, 128>}]} {
    %get3A = arith.constant 0 : index
    %get3A_0 = arith.constant 0 : index
    %get3A_1 = vector.load %arg3[%get3A, %get3A_0] : memref<2560x128xf32, #tpu.memory_space<vmem>>, vector<2560x128xf32>
    %get3A_2 = arith.constant 0 : index
    %get3A_3 = arith.constant 0 : index
    %get3A_4 = vector.load %arg1[%get3A_2, %get3A_3] : memref<2560x128xf32, #tpu.memory_space<vmem>>, vector<2560x128xf32>
    %get3A_5 = arith.constant 0 : index
    %get3A_6 = arith.constant 0 : index
    %get3A_7 = vector.load %arg2[%get3A_5, %get3A_6] : memref<2560x128xf32, #tpu.memory_space<vmem>>, vector<2560x128xf32>
    %add3A = arith.addf %get3A_4, %get3A_7 : vector<2560x128xf32>
    %get3A_8 = arith.constant 0 : index
    %get3A_9 = arith.constant 0 : index
    %get3A_10 = vector.load %arg4[%get3A_8, %get3A_9] : memref<128x128xf32, #tpu.memory_space<vmem>>, vector<128x128xf32>
    %convert_element_type3A = arith.truncf %get3A_1 : vector<2560x128xf32> to vector<2560x128xbf16>
    %convert_element_type3A_11 = arith.truncf %get3A_10 : vector<128x128xf32> to vector<128x128xbf16>
    %dot_general3A = arith.constant dense<0.000000e+00> : vector<2560x128xf32>
    %dot_general3A_12 = tpu.matmul %convert_element_type3A, %convert_element_type3A_11, %dot_general3A {dimension_numbers = #tpu.dot_dimension_numbers<[1], [0], [0], [1], [0, 0, 1, 1], [], []>, transpose_lhs_hint = false} : vector<2560x128xbf16>, vector<128x128xbf16>, vector<2560x128xf32> -> vector<2560x128xf32>
    %add3A_13 = arith.addf %add3A, %dot_general3A_12 : vector<2560x128xf32>
    %get3A_14 = arith.constant 0 : index
    %get3A_15 = arith.constant 0 : index
    %get3A_16 = vector.load %arg5[%get3A_14, %get3A_15] : memref<1x128xf32, #tpu.memory_space<vmem>>, vector<1x128xf32>
    %add3A_17 = vector.broadcast %get3A_16 : vector<1x128xf32> to vector<2560x128xf32>
    %add3A_18 = arith.addf %add3A_13, %add3A_17 : vector<2560x128xf32>
    %max3A = arith.constant 0.000000e+00 : f32
    %max3A_19 = vector.broadcast %max3A : f32 to vector<2560x128xf32>
    %max3A_20 = arith.maximumf %add3A_18, %max3A_19 : vector<2560x128xf32>
    %get3A_21 = arith.constant 0 : index
    %get3A_22 = arith.constant 0 : index
    %get3A_23 = vector.load %arg6[%get3A_21, %get3A_22] : memref<128x128xf32, #tpu.memory_space<vmem>>, vector<128x128xf32>
    %convert_element_type3A_24 = arith.truncf %max3A_20 : vector<2560x128xf32> to vector<2560x128xbf16>
    %convert_element_type3A_25 = arith.truncf %get3A_23 : vector<128x128xf32> to vector<128x128xbf16>
    %dot_general3A_26 = arith.constant dense<0.000000e+00> : vector<2560x128xf32>
    %dot_general3A_27 = tpu.matmul %convert_element_type3A_24, %convert_element_type3A_25, %dot_general3A_26 {dimension_numbers = #tpu.dot_dimension_numbers<[1], [0], [0], [1], [0, 0, 1, 1], [], []>, transpose_lhs_hint = false} : vector<2560x128xbf16>, vector<128x128xbf16>, vector<2560x128xf32> -> vector<2560x128xf32>
    %get3A_28 = arith.constant 0 : index
    %get3A_29 = arith.constant 0 : index
    %get3A_30 = vector.load %arg7[%get3A_28, %get3A_29] : memref<1x128xf32, #tpu.memory_space<vmem>>, vector<1x128xf32>
    %add3A_31 = vector.broadcast %get3A_30 : vector<1x128xf32> to vector<2560x128xf32>
    %add3A_32 = arith.addf %dot_general3A_27, %add3A_31 : vector<2560x128xf32>
    %max3A_33 = arith.constant 0.000000e+00 : f32
    %max3A_34 = vector.broadcast %max3A_33 : f32 to vector<2560x128xf32>
    %max3A_35 = arith.maximumf %add3A_32, %max3A_34 : vector<2560x128xf32>
    %get3A_36 = arith.constant 0 : index
    %get3A_37 = arith.constant 0 : index
    %get3A_38 = vector.load %arg8[%get3A_36, %get3A_37] : memref<128x128xf32, #tpu.memory_space<vmem>>, vector<128x128xf32>
    %convert_element_type3A_39 = arith.truncf %max3A_35 : vector<2560x128xf32> to vector<2560x128xbf16>
    %convert_element_type3A_40 = arith.truncf %get3A_38 : vector<128x128xf32> to vector<128x128xbf16>
    %dot_general3A_41 = arith.constant dense<0.000000e+00> : vector<2560x128xf32>
    %dot_general3A_42 = tpu.matmul %convert_element_type3A_39, %convert_element_type3A_40, %dot_general3A_41 {dimension_numbers = #tpu.dot_dimension_numbers<[1], [0], [0], [1], [0, 0, 1, 1], [], []>, transpose_lhs_hint = false} : vector<2560x128xbf16>, vector<128x128xbf16>, vector<2560x128xf32> -> vector<2560x128xf32>
    %add3A_43 = arith.addf %get3A_1, %dot_general3A_42 : vector<2560x128xf32>
    %get3A_44 = arith.constant 0 : index
    %get3A_45 = arith.constant 0 : index
    %get3A_46 = vector.load %arg9[%get3A_44, %get3A_45] : memref<1x128xf32, #tpu.memory_space<vmem>>, vector<1x128xf32>
    %add3A_47 = vector.broadcast %get3A_46 : vector<1x128xf32> to vector<2560x128xf32>
    %add3A_48 = arith.addf %add3A_43, %add3A_47 : vector<2560x128xf32>
    %swap3A = arith.constant 0 : index
    %swap3A_49 = arith.constant 0 : index
    %swap3A_50 = vector.load %arg10[%swap3A, %swap3A_49] : memref<2560x128xf32, #tpu.memory_space<vmem>>, vector<2560x128xf32>
    tpu.vector_store %arg10[%swap3A, %swap3A_49], %add3A_48 {strides = array<i32>} : memref<2560x128xf32, #tpu.memory_space<vmem>>, vector<2560x128xf32>,
    return
  }
  func.func @transform_0(%arg0: i32) -> (i32, i32) {
    %c0_i32 = arith.constant 0 : i32
    %c0_i32_0 = arith.constant 0 : i32
    return %arg0, %c0_i32 : i32, i32
  }
  func.func @transform_1(%arg0: i32) -> (i32, i32) {
    %c0_i32 = arith.constant 0 : i32
    %c0_i32_0 = arith.constant 0 : i32
    return %arg0, %c0_i32 : i32, i32
  }
  func.func @transform_2(%arg0: i32) -> (i32, i32) {
    %c0_i32 = arith.constant 0 : i32
    %c0_i32_0 = arith.constant 0 : i32
    return %arg0, %c0_i32 : i32, i32
  }
  func.func @transform_3(%arg0: i32) -> (i32, i32) {
    %c0_i32 = arith.constant 0 : i32
    %c0_i32_0 = arith.constant 0 : i32
    %c0_i32_1 = arith.constant 0 : i32
    return %c0_i32, %c0_i32_0 : i32, i32
  }
  func.func @transform_4(%arg0: i32) -> (i32, i32) {
    %c0_i32 = arith.constant 0 : i32
    %c0_i32_0 = arith.constant 0 : i32
    %c0_i32_1 = arith.constant 0 : i32
    return %c0_i32, %c0_i32_0 : i32, i32
  }
  func.func @transform_5(%arg0: i32) -> (i32, i32) {
    %c0_i32 = arith.constant 0 : i32
    %c0_i32_0 = arith.constant 0 : i32
    %c0_i32_1 = arith.constant 0 : i32
    return %c0_i32, %c0_i32_0 : i32, i32
  }
  func.func @transform_6(%arg0: i32) -> (i32, i32) {
    %c0_i32 = arith.constant 0 : i32
    %c0_i32_0 = arith.constant 0 : i32
    %c0_i32_1 = arith.constant 0 : i32
    return %c0_i32, %c0_i32_0 : i32, i32
  }
  func.func @transform_7(%arg0: i32) -> (i32, i32) {
    %c0_i32 = arith.constant 0 : i32
    %c0_i32_0 = arith.constant 0 : i32
    %c0_i32_1 = arith.constant 0 : i32
    return %c0_i32, %c0_i32_0 : i32, i32
  }
  func.func @transform_8(%arg0: i32) -> (i32, i32) {
    %c0_i32 = arith.constant 0 : i32
    %c0_i32_0 = arith.constant 0 : i32
    %c0_i32_1 = arith.constant 0 : i32
    return %c0_i32, %c0_i32_0 : i32, i32
  }
  func.func @transform_9(%arg0: i32) -> (i32, i32) {
    %c0_i32 = arith.constant 0 : i32
    %c0_i32_0 = arith.constant 0 : i32
    return %arg0, %c0_i32 : i32, i32
  }
}

module attributes {stable_mosaic.version = 14 : i64} {
  func.func @_pq_body(%arg0: i32, %arg1: memref<2000x128xf32, #tpu.memory_space<vmem>>, %arg2: memref<128x128xf32, #tpu.memory_space<vmem>>, %arg3: memref<128x128xf32, #tpu.memory_space<vmem>>, %arg4: memref<2000x128xf32, #tpu.memory_space<vmem>>, %arg5: memref<2000x128xf32, #tpu.memory_space<vmem>>) attributes {dimension_semantics = [#tpu.dimension_semantics<arbitrary>], iteration_bounds = array<i64: 5>, scalar_prefetch = 0 : i64, scratch_operands = 0 : i64, tpu.core_type = #tpu.core_type<tc>, window_params = [{transform_indices = @transform_0, window_bounds = array<i64: 2000, 128>}, {pipeline_mode = #tpu.pipeline_mode<synchronous>, transform_indices = @transform_1, window_bounds = array<i64: 128, 128>}, {pipeline_mode = #tpu.pipeline_mode<synchronous>, transform_indices = @transform_2, window_bounds = array<i64: 128, 128>}, {transform_indices = @transform_3, window_bounds = array<i64: 2000, 128>}, {transform_indices = @transform_4, window_bounds = array<i64: 2000, 128>}]} {
    %get3A = arith.constant 0 : index
    %get3A_0 = arith.constant 0 : index
    %get3A_1 = vector.load %arg1[%get3A, %get3A_0] : memref<2000x128xf32, #tpu.memory_space<vmem>>, vector<2000x128xf32>
    %get3A_2 = arith.constant 0 : index
    %get3A_3 = arith.constant 0 : index
    %get3A_4 = vector.load %arg2[%get3A_2, %get3A_3] : memref<128x128xf32, #tpu.memory_space<vmem>>, vector<128x128xf32>
    %convert_element_type3A = arith.truncf %get3A_1 : vector<2000x128xf32> to vector<2000x128xbf16>
    %convert_element_type3A_5 = arith.truncf %get3A_4 : vector<128x128xf32> to vector<128x128xbf16>
    %dot_general3A = arith.constant dense<0.000000e+00> : vector<2000x128xf32>
    %dot_general3A_6 = tpu.matmul %convert_element_type3A, %convert_element_type3A_5, %dot_general3A {dimension_numbers = #tpu.dot_dimension_numbers<[1], [0], [0], [1], [0, 0, 1, 1], [], []>, transpose_lhs_hint = false} : vector<2000x128xbf16>, vector<128x128xbf16>, vector<2000x128xf32> -> vector<2000x128xf32>
    %swap3A = arith.constant 0 : index
    %swap3A_7 = arith.constant 0 : index
    %swap3A_8 = vector.load %arg4[%swap3A, %swap3A_7] : memref<2000x128xf32, #tpu.memory_space<vmem>>, vector<2000x128xf32>
    tpu.vector_store %arg4[%swap3A, %swap3A_7], %dot_general3A_6 {strides = array<i32>} : memref<2000x128xf32, #tpu.memory_space<vmem>>, vector<2000x128xf32>,
    %get3A_9 = arith.constant 0 : index
    %get3A_10 = arith.constant 0 : index
    %get3A_11 = vector.load %arg3[%get3A_9, %get3A_10] : memref<128x128xf32, #tpu.memory_space<vmem>>, vector<128x128xf32>
    %convert_element_type3A_12 = arith.truncf %get3A_1 : vector<2000x128xf32> to vector<2000x128xbf16>
    %convert_element_type3A_13 = arith.truncf %get3A_11 : vector<128x128xf32> to vector<128x128xbf16>
    %dot_general3A_14 = arith.constant dense<0.000000e+00> : vector<2000x128xf32>
    %dot_general3A_15 = tpu.matmul %convert_element_type3A_12, %convert_element_type3A_13, %dot_general3A_14 {dimension_numbers = #tpu.dot_dimension_numbers<[1], [0], [0], [1], [0, 0, 1, 1], [], []>, transpose_lhs_hint = false} : vector<2000x128xbf16>, vector<128x128xbf16>, vector<2000x128xf32> -> vector<2000x128xf32>
    %swap3A_16 = arith.constant 0 : index
    %swap3A_17 = arith.constant 0 : index
    %swap3A_18 = vector.load %arg5[%swap3A_16, %swap3A_17] : memref<2000x128xf32, #tpu.memory_space<vmem>>, vector<2000x128xf32>
    tpu.vector_store %arg5[%swap3A_16, %swap3A_17], %dot_general3A_15 {strides = array<i32>} : memref<2000x128xf32, #tpu.memory_space<vmem>>, vector<2000x128xf32>,
    return
  }
  func.func @transform_0(%arg0: i32) -> (i32, i32) {
    %c0_i32 = arith.constant 0 : i32
    %c0_i32_0 = arith.constant 0 : i32
    return %arg0, %c0_i32 : i32, i32
  }
  func.func @transform_1(%arg0: i32) -> (i32, i32) {
    %c0_i32 = arith.constant 0 : i32
    %c0_i32_0 = arith.constant 0 : i32
    %c0_i32_1 = arith.constant 0 : i32
    return %c0_i32, %c0_i32_0 : i32, i32
  }
  func.func @transform_2(%arg0: i32) -> (i32, i32) {
    %c0_i32 = arith.constant 0 : i32
    %c0_i32_0 = arith.constant 0 : i32
    %c0_i32_1 = arith.constant 0 : i32
    return %c0_i32, %c0_i32_0 : i32, i32
  }
  func.func @transform_3(%arg0: i32) -> (i32, i32) {
    %c0_i32 = arith.constant 0 : i32
    %c0_i32_0 = arith.constant 0 : i32
    return %arg0, %c0_i32 : i32, i32
  }
  func.func @transform_4(%arg0: i32) -> (i32, i32) {
    %c0_i32 = arith.constant 0 : i32
    %c0_i32_0 = arith.constant 0 : i32
    return %arg0, %c0_i32 : i32, i32
  }
}

module attributes {stable_mosaic.version = 14 : i64} {
  func.func @_node_body(%arg0: i32, %arg1: memref<2000x128xf32, #tpu.memory_space<vmem>>, %arg2: memref<1x2000x128xf32, #tpu.memory_space<vmem>>, %arg3: memref<1x2000x128xf32, #tpu.memory_space<vmem>>, %arg4: memref<128x128xf32, #tpu.memory_space<vmem>>, %arg5: memref<128x128xf32, #tpu.memory_space<vmem>>, %arg6: memref<1x128xf32, #tpu.memory_space<vmem>>, %arg7: memref<128x128xf32, #tpu.memory_space<vmem>>, %arg8: memref<1x128xf32, #tpu.memory_space<vmem>>, %arg9: memref<128x128xf32, #tpu.memory_space<vmem>>, %arg10: memref<1x128xf32, #tpu.memory_space<vmem>>, %arg11: memref<2000x128xf32, #tpu.memory_space<vmem>>) attributes {dimension_semantics = [#tpu.dimension_semantics<arbitrary>], iteration_bounds = array<i64: 5>, scalar_prefetch = 0 : i64, scratch_operands = 0 : i64, tpu.core_type = #tpu.core_type<tc>, window_params = [{transform_indices = @transform_0, window_bounds = array<i64: 2000, 128>}, {transform_indices = @transform_1, window_bounds = array<i64: 1, 2000, 128>}, {transform_indices = @transform_2, window_bounds = array<i64: 1, 2000, 128>}, {pipeline_mode = #tpu.pipeline_mode<synchronous>, transform_indices = @transform_3, window_bounds = array<i64: 128, 128>}, {pipeline_mode = #tpu.pipeline_mode<synchronous>, transform_indices = @transform_4, window_bounds = array<i64: 128, 128>}, {pipeline_mode = #tpu.pipeline_mode<synchronous>, transform_indices = @transform_5, window_bounds = array<i64: 1, 128>}, {pipeline_mode = #tpu.pipeline_mode<synchronous>, transform_indices = @transform_6, window_bounds = array<i64: 128, 128>}, {pipeline_mode = #tpu.pipeline_mode<synchronous>, transform_indices = @transform_7, window_bounds = array<i64: 1, 128>}, {pipeline_mode = #tpu.pipeline_mode<synchronous>, transform_indices = @transform_8, window_bounds = array<i64: 128, 128>}, {pipeline_mode = #tpu.pipeline_mode<synchronous>, transform_indices = @transform_9, window_bounds = array<i64: 1, 128>}, {transform_indices = @transform_10, window_bounds = array<i64: 2000, 128>}]} {
    %get3A = arith.constant 0 : index
    %get3A_0 = arith.constant 0 : index
    %get3A_1 = vector.load %arg1[%get3A, %get3A_0] : memref<2000x128xf32, #tpu.memory_space<vmem>>, vector<2000x128xf32>
    %get3A_2 = arith.constant 0 : index
    %get3A_3 = arith.constant 0 : index
    %get3A_4 = arith.constant 0 : index
    %get3A_5 = vector.load %arg2[%get3A_2, %get3A_3, %get3A_4] : memref<1x2000x128xf32, #tpu.memory_space<vmem>>, vector<1x2000x128xf32>
    %get3A_6 = vector.shape_cast %get3A_5 : vector<1x2000x128xf32> to vector<2000x128xf32>
    %get3A_7 = arith.constant 0 : index
    %get3A_8 = arith.constant 0 : index
    %get3A_9 = arith.constant 0 : index
    %get3A_10 = vector.load %arg3[%get3A_7, %get3A_8, %get3A_9] : memref<1x2000x128xf32, #tpu.memory_space<vmem>>, vector<1x2000x128xf32>
    %get3A_11 = vector.shape_cast %get3A_10 : vector<1x2000x128xf32> to vector<2000x128xf32>
    %add3A = arith.addf %get3A_6, %get3A_11 : vector<2000x128xf32>
    %get3A_12 = arith.constant 0 : index
    %get3A_13 = arith.constant 0 : index
    %get3A_14 = vector.load %arg4[%get3A_12, %get3A_13] : memref<128x128xf32, #tpu.memory_space<vmem>>, vector<128x128xf32>
    %convert_element_type3A = arith.truncf %get3A_1 : vector<2000x128xf32> to vector<2000x128xbf16>
    %convert_element_type3A_15 = arith.truncf %get3A_14 : vector<128x128xf32> to vector<128x128xbf16>
    %dot_general3A = arith.constant dense<0.000000e+00> : vector<2000x128xf32>
    %dot_general3A_16 = tpu.matmul %convert_element_type3A, %convert_element_type3A_15, %dot_general3A {dimension_numbers = #tpu.dot_dimension_numbers<[1], [0], [0], [1], [0, 0, 1, 1], [], []>, transpose_lhs_hint = false} : vector<2000x128xbf16>, vector<128x128xbf16>, vector<2000x128xf32> -> vector<2000x128xf32>
    %get3A_17 = arith.constant 0 : index
    %get3A_18 = arith.constant 0 : index
    %get3A_19 = vector.load %arg5[%get3A_17, %get3A_18] : memref<128x128xf32, #tpu.memory_space<vmem>>, vector<128x128xf32>
    %convert_element_type3A_20 = arith.truncf %add3A : vector<2000x128xf32> to vector<2000x128xbf16>
    %convert_element_type3A_21 = arith.truncf %get3A_19 : vector<128x128xf32> to vector<128x128xbf16>
    %dot_general3A_22 = arith.constant dense<0.000000e+00> : vector<2000x128xf32>
    %dot_general3A_23 = tpu.matmul %convert_element_type3A_20, %convert_element_type3A_21, %dot_general3A_22 {dimension_numbers = #tpu.dot_dimension_numbers<[1], [0], [0], [1], [0, 0, 1, 1], [], []>, transpose_lhs_hint = false} : vector<2000x128xbf16>, vector<128x128xbf16>, vector<2000x128xf32> -> vector<2000x128xf32>
    %add3A_24 = arith.addf %dot_general3A_16, %dot_general3A_23 : vector<2000x128xf32>
    %get3A_25 = arith.constant 0 : index
    %get3A_26 = arith.constant 0 : index
    %get3A_27 = vector.load %arg6[%get3A_25, %get3A_26] : memref<1x128xf32, #tpu.memory_space<vmem>>, vector<1x128xf32>
    %add3A_28 = vector.broadcast %get3A_27 : vector<1x128xf32> to vector<2000x128xf32>
    %add3A_29 = arith.addf %add3A_24, %add3A_28 : vector<2000x128xf32>
    %max3A = arith.constant 0.000000e+00 : f32
    %max3A_30 = vector.broadcast %max3A : f32 to vector<2000x128xf32>
    %max3A_31 = arith.maximumf %add3A_29, %max3A_30 : vector<2000x128xf32>
    %get3A_32 = arith.constant 0 : index
    %get3A_33 = arith.constant 0 : index
    %get3A_34 = vector.load %arg7[%get3A_32, %get3A_33] : memref<128x128xf32, #tpu.memory_space<vmem>>, vector<128x128xf32>
    %convert_element_type3A_35 = arith.truncf %max3A_31 : vector<2000x128xf32> to vector<2000x128xbf16>
    %convert_element_type3A_36 = arith.truncf %get3A_34 : vector<128x128xf32> to vector<128x128xbf16>
    %dot_general3A_37 = arith.constant dense<0.000000e+00> : vector<2000x128xf32>
    %dot_general3A_38 = tpu.matmul %convert_element_type3A_35, %convert_element_type3A_36, %dot_general3A_37 {dimension_numbers = #tpu.dot_dimension_numbers<[1], [0], [0], [1], [0, 0, 1, 1], [], []>, transpose_lhs_hint = false} : vector<2000x128xbf16>, vector<128x128xbf16>, vector<2000x128xf32> -> vector<2000x128xf32>
    %get3A_39 = arith.constant 0 : index
    %get3A_40 = arith.constant 0 : index
    %get3A_41 = vector.load %arg8[%get3A_39, %get3A_40] : memref<1x128xf32, #tpu.memory_space<vmem>>, vector<1x128xf32>
    %add3A_42 = vector.broadcast %get3A_41 : vector<1x128xf32> to vector<2000x128xf32>
    %add3A_43 = arith.addf %dot_general3A_38, %add3A_42 : vector<2000x128xf32>
    %max3A_44 = arith.constant 0.000000e+00 : f32
    %max3A_45 = vector.broadcast %max3A_44 : f32 to vector<2000x128xf32>
    %max3A_46 = arith.maximumf %add3A_43, %max3A_45 : vector<2000x128xf32>
    %get3A_47 = arith.constant 0 : index
    %get3A_48 = arith.constant 0 : index
    %get3A_49 = vector.load %arg9[%get3A_47, %get3A_48] : memref<128x128xf32, #tpu.memory_space<vmem>>, vector<128x128xf32>
    %convert_element_type3A_50 = arith.truncf %max3A_46 : vector<2000x128xf32> to vector<2000x128xbf16>
    %convert_element_type3A_51 = arith.truncf %get3A_49 : vector<128x128xf32> to vector<128x128xbf16>
    %dot_general3A_52 = arith.constant dense<0.000000e+00> : vector<2000x128xf32>
    %dot_general3A_53 = tpu.matmul %convert_element_type3A_50, %convert_element_type3A_51, %dot_general3A_52 {dimension_numbers = #tpu.dot_dimension_numbers<[1], [0], [0], [1], [0, 0, 1, 1], [], []>, transpose_lhs_hint = false} : vector<2000x128xbf16>, vector<128x128xbf16>, vector<2000x128xf32> -> vector<2000x128xf32>
    %add3A_54 = arith.addf %get3A_1, %dot_general3A_53 : vector<2000x128xf32>
    %get3A_55 = arith.constant 0 : index
    %get3A_56 = arith.constant 0 : index
    %get3A_57 = vector.load %arg10[%get3A_55, %get3A_56] : memref<1x128xf32, #tpu.memory_space<vmem>>, vector<1x128xf32>
    %add3A_58 = vector.broadcast %get3A_57 : vector<1x128xf32> to vector<2000x128xf32>
    %add3A_59 = arith.addf %add3A_54, %add3A_58 : vector<2000x128xf32>
    %swap3A = arith.constant 0 : index
    %swap3A_60 = arith.constant 0 : index
    %swap3A_61 = vector.load %arg11[%swap3A, %swap3A_60] : memref<2000x128xf32, #tpu.memory_space<vmem>>, vector<2000x128xf32>
    tpu.vector_store %arg11[%swap3A, %swap3A_60], %add3A_59 {strides = array<i32>} : memref<2000x128xf32, #tpu.memory_space<vmem>>, vector<2000x128xf32>,
    return
  }
  func.func @transform_0(%arg0: i32) -> (i32, i32) {
    %c0_i32 = arith.constant 0 : i32
    %c0_i32_0 = arith.constant 0 : i32
    return %arg0, %c0_i32 : i32, i32
  }
  func.func @transform_1(%arg0: i32) -> (i32, i32, i32) {
    %c0_i32 = arith.constant 0 : i32
    %c0_i32_0 = arith.constant 0 : i32
    %c0_i32_1 = arith.constant 0 : i32
    return %c0_i32, %arg0, %c0_i32_0 : i32, i32, i32
  }
  func.func @transform_2(%arg0: i32) -> (i32, i32, i32) {
    %c0_i32 = arith.constant 0 : i32
    %c0_i32_0 = arith.constant 0 : i32
    %c0_i32_1 = arith.constant 0 : i32
    return %c0_i32, %arg0, %c0_i32_0 : i32, i32, i32
  }
  func.func @transform_3(%arg0: i32) -> (i32, i32) {
    %c0_i32 = arith.constant 0 : i32
    %c0_i32_0 = arith.constant 0 : i32
    %c0_i32_1 = arith.constant 0 : i32
    return %c0_i32, %c0_i32_0 : i32, i32
  }
  func.func @transform_4(%arg0: i32) -> (i32, i32) {
    %c0_i32 = arith.constant 0 : i32
    %c0_i32_0 = arith.constant 0 : i32
    %c0_i32_1 = arith.constant 0 : i32
    return %c0_i32, %c0_i32_0 : i32, i32
  }
  func.func @transform_5(%arg0: i32) -> (i32, i32) {
    %c0_i32 = arith.constant 0 : i32
    %c0_i32_0 = arith.constant 0 : i32
    %c0_i32_1 = arith.constant 0 : i32
    return %c0_i32, %c0_i32_0 : i32, i32
  }
  func.func @transform_6(%arg0: i32) -> (i32, i32) {
    %c0_i32 = arith.constant 0 : i32
    %c0_i32_0 = arith.constant 0 : i32
    %c0_i32_1 = arith.constant 0 : i32
    return %c0_i32, %c0_i32_0 : i32, i32
  }
  func.func @transform_7(%arg0: i32) -> (i32, i32) {
    %c0_i32 = arith.constant 0 : i32
    %c0_i32_0 = arith.constant 0 : i32
    %c0_i32_1 = arith.constant 0 : i32
    return %c0_i32, %c0_i32_0 : i32, i32
  }
  func.func @transform_8(%arg0: i32) -> (i32, i32) {
    %c0_i32 = arith.constant 0 : i32
    %c0_i32_0 = arith.constant 0 : i32
    %c0_i32_1 = arith.constant 0 : i32
    return %c0_i32, %c0_i32_0 : i32, i32
  }
  func.func @transform_9(%arg0: i32) -> (i32, i32) {
    %c0_i32 = arith.constant 0 : i32
    %c0_i32_0 = arith.constant 0 : i32
    %c0_i32_1 = arith.constant 0 : i32
    return %c0_i32, %c0_i32_0 : i32, i32
  }
  func.func @transform_10(%arg0: i32) -> (i32, i32) {
    %c0_i32 = arith.constant 0 : i32
    %c0_i32_0 = arith.constant 0 : i32
    return %arg0, %c0_i32 : i32, i32
  }
}

</mosaic_0001>

<sc_bundles>
// kernel: kernel.10.cloned.1.call-start
scs
__scs_entry_jumppad:
0x0: {  	(pc) =	sbr.rel $0x88, $3  }
0x1: {  	(tag) =	ssettag $0x0;
	lr =	simm.s32 $0x1  }
0x2: {  	[smem:$0x3F92] =	sst lr;
	_ =	strace $0xD0000000  }
0x3: {  	_ = 	snop  }
0x4: {  	_ = 	snop  }
0x5: {  	_ = 	snop  }
0x6: {  	_ = 	snop  }
0x7: {  	_ = 	snop  }
__scs_overlays_trampoline_lowered:
0x8: {  	[smem:$0x3FA1] =	sst s0  }
0x9: {  	[smem:$0x3FA2] =	sst s1  }
0xa: {  	[smem:$0x3FA3] =	sst s2  }
0xb: {  	[smem:$0x3FA4] =	sst s3  }
0xc: {  	[smem:$0x3FA5] =	sst s4  }
0xd: {  	[smem:$0x3FA6] =	sst s5  }
0xe: {  	[smem:$0x3FA7] =	sst s6  }
0xf: {  	[smem:$0x3FA8] =	sst s7  }
0x10: {  	[smem:$0x3FA9] =	sst s8  }
0x11: {  	[smem:$0x3FAA] =	sst s9;
	s0 =	simm.s32 @!p0 $0x0  }
0x12: {  	s1 =	sld [smem:$0x3F90];
	s0 =	simm.s32 @p0 $0x1  }
0x13: {  	[smem:$0x3FAB] =	sst s0;
	s0 =	simm.s32 @!p1 $0x0  }
0x14: {  	s2 =	sld [smem:$0x3F8F];
	s0 =	simm.s32 @p1 $0x1  }
0x15: {  	[smem:$0x3FAC] =	sst s0;
	s0 =	simm.s32 @!p2 $0x0  }
0x16: {  	s3 =	sld [smem:$0x3FDB];
	s0 =	simm.s32 @p2 $0x1  }
0x17: {  	s4 =	simm.s32 $0x1BF5;
	[smem:$0x3FAE] =	sst s0  }
0x18: {  	s0 =	sld [smem:$0x3F91];
	_ =	swait.ge [sflag:s4], $0x0  }
0x19: {  	s7 =	sld [smem:$0x3F92]  }
0x1a: {  	s8 =	sadd.s32 $0xFFFFE003, lr  }
0x1b: {  	s9 =	sadd.s32 $0xFFFFFEF7, lr;
	s5 =	simm.s32 $0xFFFFFFFF;
	p2 =	slt.u32 s8, $0xFFFFF086  }
0x1c: {  	p1 =	slt.u32 s9, $0xF7A;
	s5 =	simm.s32 @!p2 $0x0  }
0x1d: {  	s5 =	simm.s32 @p1 $0x1;
	p0 =	seq.s32 s7, s2  }
0x1e: {  	s7 =	smul.u32 @!p0 $0xF7A, s2;
	p2 =	seq.s32 @!p0 s5, $0x0  }
0x1f: {  	s9 =	smul.u32 $0xF7A, s1;
	s8 =	simm.s32 @!p0 $0x1BF5;
	p2 =	por !p2, p0  }
0x20: {  	[sflag:s8] =	ssyncset.s32 @!p0 $0xFFFFF086;
	s6 =	sadd.s32 @!p0 s3, s7;
	s7 =	simm.s32 @!p0 $0x108  }
0x21: {  	s3 =	sadd.s32 s3, s9;
	s6 =	sadd.s32 @!p0 $0x88, s6;
	s7 =	simm.s32 @p2 $0x1082  }
0x22: {  	[simem:s7], [sflag:s8] =	dma.local @!p0 [hbm:s6], $0xF7A  }
0x23: {  	s9 =	sor.u32 $0xD0000000, s2;
	s6 =	simm.s32 $0x108;
	_ =	swait.ge @!p0 [sflag:s8], $0x0  }
0x24: {  	s3 =	sadd.s32 $0x88, s3;
	s6 =	simm.s32 @!p1 $0x1082;
	[sflag:s4] =	ssyncset.s32 $0xFFFFF086  }
0x25: {  	[simem:s6], [sflag:s4] =	dma.local [hbm:s3], $0xF7A  }
0x26: {  	[smem:$0x3F92] =	sst s1;
	(tag) =	ssettag s2;
	_ =	strace s9  }
0x27: {  	s1 =	sld [smem:$0x3FA2]  }
0x28: {  	s2 =	sld [smem:$0x3FA3]  }
0x29: {  	s4 =	sld [smem:$0x3FA5]  }
0x2a: {  	p0 =	seq.s32 s5, $0x0;
	s5 =	sld [smem:$0x3FA6]  }
0x2b: {  	s6 =	sld [smem:$0x3FA7]  }
0x2c: {  	s7 =	sld [smem:$0x3FA8]  }
0x2d: {  	s3 =	simm.s32 $0x108;
	s8 =	sld [smem:$0x3FA9]  }
0x2e: {  	s3 =	simm.s32 @!p0 $0x1082;
	s9 =	sld [smem:$0x3FAA]  }
0x2f: {  	lr =	sadd.s32 s0, s3;
	s0 =	sld [smem:$0x3FA1]  }
0x30: {  	s3 =	sld [smem:$0x3FA4]  }
0x31: {  	[smem:$0x3FAD] =	sst s10  }
0x32: {  	s10 =	sld [smem:$0x3FAB];
	_ =	sdelay $0x3  }
0x33: {  	p0 =	seq.s32 s10, $0x1;
	s10 =	sld [smem:$0x3FAD];
	_ =	sdelay $0x3  }
0x34: {  	[smem:$0x3FAD] =	sst s10  }
0x35: {  	s10 =	sld [smem:$0x3FAC];
	_ =	sdelay $0x3  }
0x36: {  	p1 =	seq.s32 s10, $0x1;
	s10 =	sld [smem:$0x3FAD];
	_ =	sdelay $0x3  }
0x37: {  	[smem:$0x3FAD] =	sst s10  }
0x38: {  	s10 =	sld [smem:$0x3FAE]  }
0x39: {  	_ = 	snop;
	(pc) =	sbr.ind lr, $3  }
0x3a: {  	_ = 	snop  }
0x3b: {  	_ = 	snop  }
0x3c: {  	p2 =	seq.s32 s10, $0x1;
	s10 =	sld [smem:$0x3FAD]  }
0x3d: {  	_ =	shalt  }
0x3e: {  	_ =	shalt  }
0x3f: {  	_ =	shalt  }
0x40: {  	_ =	shalt  }
0x41: {  	_ =	shalt  }
0x42: {  	_ =	shalt  }
0x43: {  	_ =	shalt  }
0x44: {  	_ =	shalt  }
0x45: {  	_ =	shalt  }
0x46: {  	_ =	shalt  }
0x47: {  	_ =	shalt  }
0x48: {  	_ =	shalt  }
0x49: {  	_ =	shalt  }
0x4a: {  	_ =	shalt  }
0x4b: {  	_ =	shalt  }
0x4c: {  	_ =	shalt  }
0x4d: {  	_ =	shalt  }
0x4e: {  	_ =	shalt  }
0x4f: {  	_ =	shalt  }
0x50: {  	_ =	shalt  }
0x51: {  	_ =	shalt  }
0x52: {  	_ =	shalt  }
0x53: {  	_ =	shalt  }
0x54: {  	_ =	shalt  }
0x55: {  	_ =	shalt  }
0x56: {  	_ =	shalt  }
0x57: {  	_ =	shalt  }
0x58: {  	_ =	shalt  }
0x59: {  	_ =	shalt  }
0x5a: {  	_ =	shalt  }
0x5b: {  	_ =	shalt  }
0x5c: {  	_ =	shalt  }
0x5d: {  	_ =	shalt  }
0x5e: {  	_ =	shalt  }
0x5f: {  	_ =	shalt  }
0x60: {  	_ =	shalt  }
0x61: {  	_ =	shalt  }
0x62: {  	_ =	shalt  }
0x63: {  	_ =	shalt  }
0x64: {  	_ =	shalt  }
0x65: {  	_ =	shalt  }
0x66: {  	_ =	shalt  }
0x67: {  	_ =	shalt  }
0x68: {  	_ =	shalt  }
0x69: {  	_ =	shalt  }
0x6a: {  	_ =	shalt  }
0x6b: {  	_ =	shalt  }
0x6c: {  	_ =	shalt  }
0x6d: {  	_ =	shalt  }
0x6e: {  	_ =	shalt  }
0x6f: {  	_ =	shalt  }
0x70: {  	_ =	shalt  }
0x71: {  	_ =	shalt  }
0x72: {  	_ =	shalt  }
0x73: {  	_ =	shalt  }
0x74: {  	_ =	shalt  }
0x75: {  	_ =	shalt  }
0x76: {  	_ =	shalt  }
0x77: {  	_ =	shalt  }
0x78: {  	_ =	shalt  }
0x79: {  	_ =	shalt  }
0x7a: {  	_ =	shalt  }
0x7b: {  	_ =	shalt  }
0x7c: {  	_ =	shalt  }
0x7d: {  	_ =	shalt  }
0x7e: {  	_ =	shalt  }
0x7f: {  	_ =	shalt  }
0x80: {  	_ =	shalt  }
0x81: {  	_ =	shalt  }
0x82: {  	_ =	shalt  }
0x83: {  	_ =	shalt  }
0x84: {  	_ =	shalt  }
0x85: {  	_ =	shalt  }
0x86: {  	_ =	shalt  }
0x87: {  	_ =	shalt  }
.Lfunc_end0:
.L_simem_size_0:
called_computation.1_lowered:
.L_overlay_start_0:
0x88: {  	s2 =	sld [smem:$0x3FD9]  }
0x89: {  	s3 =	sld [smem:$0x3FFE];
	_ =	sdelay $0x1  }
0x8a: {  	s1 =	srdreg.scid  }
0x8b: {  	s0 =	sand.u32 $0x1, s1  }
0x8c: {  	s14 =	sshll.u32 s0, $0xA;
	s2 =	sadd.s32 s3, s2  }
0x8d: {  	s2 =	sadd.s32 s2, s14  }
0x8e: {  	[smem:$0x3FB9] =	sst s2  }
0x8f: {  	_ = 	snop  }
0x90: {  	s2 =	sld [smem:$0x3FD0];
	_ =	sdelay $0x2  }
0x91: {  	s15 =	simm.s32 $0xA;
	s4 =	simm.s32 $0x10  }
0x92: {  	[smem:s4], [sflag:s15] =	dma.local [hbm:s2], $0x1  }
0x93: {  	_ =	swait.eq [sflag:s15], $0x1  }
0x94: {  	[sflag:s15] =	ssyncset.done $0x0  }
0x95: {  	[sflag:s15] =	ssyncadd.s32 $0xFFFFFFFF  }
0x96: {  	s16 =	sld [smem:$0x11];
	(tm) =	ssettm $0x1  }
0x97: {  	s17 =	sld [smem:$0x3FFB];
	_ =	sdelay $0x3  }
0x98: {  	_ =	strace s17  }
0x99: {  	s3 =	sld [smem:$0x3FFC];
	_ =	sdelay $0x3  }
0x9a: {  	_ =	strace s3  }
0x9b: {  	s3 =	sld [smem:$0x3FFD];
	_ =	sdelay $0x3  }
0x9c: {  	_ =	strace s3  }
0x9d: {  	_ =	strace $0x8FFFFFFF  }
0x9e: {  	s18 =	sld [smem:$0x3FDB];
	_ =	sdelay $0x1  }
0x9f: {  	s19 =	simm.s32 $_scs_section_size  }
0xa0: {  	s5 =	simm.s32 $_size__tile_overlayer_lowered;
	s6 =	simm.s32 $_tile_overlayer_lowered  }
0xa1: {  	s22 =	simm.s32 $0x1BFF;
	s21 =	sshll.u32 s6, $0x1;
	s3 =	sadd.s32 s19, s18  }
0xa2: {  	s7 =	simm.s32 $0x0;
	s20 =	sshll.u32 s5, $0x1;
	s5 =	sadd.s32 s21, s3  }
0xa3: {  	[timem:s7], [sflag:s22] =	dma.local [hbm:s5], s20  }
0xa4: {  	_ =	swait.ge [sflag:s22], s20  }
0xa5: {  	s4 =	ssub.s32 $0x0, s20;
	[sflag:s22] =	ssyncset.done $0x0  }
0xa6: {  	[sflag:s22] =	ssyncadd.s32 s4;
	_ =	sdelay $0x1  }
0xa7: {  	s23 =	simm.s32 $0x1B8B  }
0xa8: {  	_ =	swait.ge [sflag:s23], $0x1  }
0xa9: {  	[sflag:s23] =	ssyncset.done $0x0  }
0xaa: {  	s25 =	simm.s32 $0x1B8E;
	s24 =	sld [smem:$0x3FFE];
	[sflag:s23] =	ssyncadd.s32 $0xFFFFFFFF  }
0xab: {  	s26 =	simm.s32 $execute0_lowered;
	[smem:$0x3FD2] =	sst s25  }
0xac: {  	s5 =	sshll.u32 s26, $0x1;
	_ =	strace $0x80000049;
	[dreg:$0x1] =	wrdreg $0xFFFFFFFF  }
0xad: {  	s28 =	simm.s32 $_size_execute0_lowered;
	s3 =	sadd.s32 s3, s5;
	[dreg:$0x0] =	wrdreg $0x0  }
0xae: {  	s5 =	sshll.u32 s28, $0x1;
	[dreg:$0x2] =	wrdreg s3  }
0xaf: {  	[dreg:$0x3] =	wrdreg s5  }
0xb0: {  	[dreg:$0x4] =	wrdreg $0xC0  }
0xb1: {  	_ =	task [dreg:s7], $0x5FFFF  }
0xb2: {  	[dreg:$0x1] =	wrdreg $0xFFFFFFFF  }
0xb3: {  	[dreg:$0x0] =	wrdreg $0x60  }
0xb4: {  	[dreg:$0x2] =	wrdreg s16  }
0xb5: {  	[dreg:$0x3] =	wrdreg s24  }
0xb6: {  	[dreg:$0x4] =	wrdreg $0x0  }
0xb7: {  	[dreg:$0x5] =	wrdreg $0x9  }
0xb8: {  	_ =	task.clear_ibuf [dreg:s7], $0x6FFFF;
	_ =	strace $0x90000049  }
0xb9: {  	s29 =	simm.s32 $0x9;
	_ =	strace $0x8000004B  }
0xba: {  	_ =	swait.ge [sflag:s29], $0x1  }
0xbb: {  	[sflag:s29] =	ssyncadd.s32 $0xFFFFFFFF  }
0xbc: {  	_ =	strace $0x9000004B  }
0xbd: {  	_ =	sfence  }
0xbe: {  	s30 =	sld [smem:$0x0];
	_ =	sdelay $0x2  }
0xbf: {  	s31 =	sshll.u32 s1, $0xD;
	s1 =	sshrl.u32 s1, $0x2  }
0xc0: {  	s3 =	sand.u32 $0x4000, s31;
	s1 =	sadd.s32 s1, s30  }
0xc1: {  	s0 =	sor.u32 s3, s0;
	s1 =	sshll.u32 s1, $0x11  }
0xc2: {  	s0 =	sor.u32 s1, s0  }
0xc3: {  	s0 =	sadd.s32 $0x8F2B, s0  }
0xc4: {  	[sflag:s0] =	ssyncadd.remote.s32 $0x1  }
0xc5: {  	_ =	sfence.sel $0xFFFF  }
0xc6: {  	[dreg:$0x0] =	wrdreg $0xFFFFFFFF;
	(pc) =	sbr.abs _section_cstart, $3  }
0xc7: {  	[dreg:$0x1] =	wrdreg $0xFFFFFFFF  }
0xc8: {  	_ =	task.clear_ibuf [dreg:s7], $0x2FFFF;
	_ =	strace $0x9FFFFFFF  }
0xc9: {  	(tm) =	ssettm $0x7FFFFFFF  }
tec
execute0_lowered:
.L_overlay_start_1:
0x0: {  	(tag) =	ssettag $0x1  }
0x1: {  	s10 =	rddreg [dreg:$0x0];
	s2 =	srdreg.scid  }
0x2: {  	s4 =	rddreg [dreg:$0x1];
	s6 =	sand.u32 $0x1, s2  }
0x3: {  	s2 =	stileid.u32;
	s5 =	smul.u32 $0x138800, s6  }
0x4: {  	s1 =	rddreg [dreg:$0x2];
	s7 =	smul.u32 $0x1F400, s2  }
0x5: {  	s0 =	rddreg [dreg:$0x3];
	s3 =	simm.s32 $0x0;
	s8 =	smul.u32 $0x4E20, s6  }
0x6: {  	[smem:$0x7FF] =	sst s3;
	s9 =	smul.u32 $0x7D000, s2  }
0x7: {  	_ =	strace $0x8000004A;
	s28 =	ssub.s32 $0x2, s6;
	s12 =	smul.u32 $0x271000, s6  }
0x8: {  	s13 =	sshll.u32 s2, $0x4;
	s31 =	sshll.u32 s2, $0xB;
	p0 =	sgt.u32 s2, $0x9  }
0x9: {  	s29 =	sshrl.u32 s28, $0x1;
	s5 =	sadd.s32 s7, s5;
	s11 =	sadd.s32 s8, s4  }
0xa: {  	s7 =	ssub.s32 s28, s29;
	s30 =	sshrl.u32 s9, $0x2;
	s12 =	sadd.s32 s12, s10  }
0xb: {  	s5 =	sshrl.u32 s5, $0x3;
	s6 =	smax.u32 s7, $0x1;
	s13 =	sadd.s32 s13, s11  }
0xc: {  	s11 =	sadd.s32 s31, s12;
	s4 =	sadd.s32 s5, s4;
	s5 =	sadd.s32 s30, s1  }
0xd: {  	s12 =	sadd.s32 $0xCE00, s13;
	s4 =	sadd.s32 $0x16C00, s4;
	s7 =	sadd.s32 $0x6400, s5  }
0xe: {  	v0 =	vimm.f32 $0.0e+00;
	s8 =	sadd.s32 $0xC800, s5;
	s9 =	sadd.s32 $0x12C00, s5;
	s10 =	sadd.s32 $0x19000, s5  }
.LBB2_1:
0xf: {  	s13 =	simm.s32 $0x70;
	s14 =	simm.s32 $0x3C0  }
.LBB2_2:
0x10: {  	p1 =	sne.s32 s14, $0x18FC0;
	[tilespmem:s13+$0x13880] =	vst v0  }
0x11: {  	[tilespmem:s13+$0x13810] =	vst v0  }
0x12: {  	[tilespmem:s13+$0x13820] =	vst v0  }
.Ltmp0:
0x13: {  	[tilespmem:s13+$0x13830] =	vst v0;
	(pc) =	sbr.rel @p1 .LBB2_2-.Ltmp0, $4  }
0x14: {  	[tilespmem:s13+$0x13840] =	vst v0  }
0x15: {  	[tilespmem:s13+$0x13850] =	vst v0  }
0x16: {  	[tilespmem:s13+$0x13860] =	vst v0  }
0x17: {  	[tilespmem:s13+$0x13870] =	vst v0;
	s13 =	sshra.s32 s14, $0x2;
	s14 =	sadd.s32 $0x200, s14  }
0x18: {  	[tilespmem:s13+$0x13880] =	vst v0  }
0x19: {  	[tilespmem:s13+$0x13810] =	vst v0  }
0x1a: {  	[tilespmem:s13+$0x13820] =	vst v0  }
0x1b: {  	[tilespmem:s13+$0x13830] =	vst v0  }
0x1c: {  	[tilespmem:s13+$0x13840] =	vst v0  }
0x1d: {  	[tilespmem:s13+$0x13850] =	vst v0  }
0x1e: {  	[tilespmem:s13+$0x13860] =	vst v0  }
0x1f: {  	[tilespmem:s13+$0x13870] =	vst v0;
	s13 =	simm.s32 @!p0 $0x13880;
	s14 =	simm.s32 @!p0 $0x1  }
0x20: {  	[spmem:s5] =	stream.linear.scatter @!p0 [tilespmem:s13], [sflag:$0x1], $0x6400, $0x38;
	[tilespmem:$0x1DD00] =	vst v63  }
0x21: {  	_ =	swait.ge @!p0 [sflag:s14], $0x6400  }
0x22: {  	[sflag:s14] =	ssyncset.done @!p0 $0x0  }
0x23: {  	[sflag:s14] =	ssyncadd.s32 @!p0 $0xFFFF9C00  }
0x24: {  	[spmem:s7] =	stream.linear.scatter @!p0 [tilespmem:s13], [sflag:$0x1], $0x6400, $0x38;
	[tilespmem:$0x1DD00] =	vst v63  }
0x25: {  	_ =	swait.ge @!p0 [sflag:s14], $0x6400  }
0x26: {  	[sflag:s14] =	ssyncset.done @!p0 $0x0  }
0x27: {  	[sflag:s14] =	ssyncadd.s32 @!p0 $0xFFFF9C00  }
0x28: {  	[spmem:s8] =	stream.linear.scatter @!p0 [tilespmem:s13], [sflag:$0x1], $0x6400, $0x38;
	[tilespmem:$0x1DD00] =	vst v63  }
0x29: {  	_ =	swait.ge @!p0 [sflag:s14], $0x6400  }
0x2a: {  	[sflag:s14] =	ssyncset.done @!p0 $0x0  }
0x2b: {  	[sflag:s14] =	ssyncadd.s32 @!p0 $0xFFFF9C00  }
0x2c: {  	[spmem:s9] =	stream.linear.scatter @!p0 [tilespmem:s13], [sflag:$0x1], $0x6400, $0x38;
	[tilespmem:$0x1DD00] =	vst v63  }
0x2d: {  	_ =	swait.ge @!p0 [sflag:s14], $0x6400  }
0x2e: {  	[sflag:s14] =	ssyncset.done @!p0 $0x0  }
0x2f: {  	[sflag:s14] =	ssyncadd.s32 @!p0 $0xFFFF9C00  }
0x30: {  	[spmem:s10] =	stream.linear.scatter @!p0 [tilespmem:s13], [sflag:$0x1], $0x6400, $0x38;
	[tilespmem:$0x1DD00] =	vst v63  }
0x31: {  	s30 =	sadd.s32 $0x0, s2;
	_ =	swait.ge @!p0 [sflag:s14], $0x6400  }
0x32: {  	p1 =	sgt.u32 s30, $0x4E1;
	[sflag:s14] =	ssyncset.done @!p0 $0x0  }
0x33: {  	s16 =	simm.s32 @!p1 $0x2;
	[sflag:s14] =	ssyncadd.s32 @!p0 $0xFFFF9C00  }
0x34: {  	s13 =	simm.s32 @!p1 $0x0;
	s14 =	simm.s32 @!p1 $0x19C80;
	[bflag:$0x0] =	sbarrier.arrive $0xFFFF  }
0x35: {  	[tilespmem:s14], [sflag:$0x2] =	stream.linear.gather @!p1 [hbm4b:s12+s13], $0x80, $0x38;
	[tilespmem:$0x1DD00] =	vst v63  }
0x36: {  	_ =	swait.ge @!p1 [sflag:s16], $0x80;
	p1 =	por p1, p1  }
0x37: {  	[sflag:s16] =	ssyncset.done @!p1 $0x0  }
0x38: {  	s17 =	simm.s32 @!p1 $0x19D00;
	[sflag:s16] =	ssyncadd.s32 @!p1 $0xFFFFFF80  }
0x39: {  	[tilespmem:s17], [sflag:$0x2] =	stream.linear.gather @!p1 [hbm4b:s11+s13], $0x4000, $0x38;
	[tilespmem:$0x1DD00] =	vst v63  }
0x3a: {  	s31 =	sadd.s32 $0x10, s2;
	_ =	swait.ge @!p1 [sflag:s16], $0x4000  }
0x3b: {  	s15 =	simm.s32 $0x20;
	p2 =	sgt.u32 s31, $0x4E1;
	[sflag:s16] =	ssyncset.done @!p1 $0x0  }
0x3c: {  	s13 =	simm.s32 @!p1 $0x80;
	[sflag:s16] =	ssyncadd.s32 @!p1 $0xFFFFC000;
	s16 =	simm.s32 @!p1 $0x1  }
0x3d: {  	[spmem:s1] =	stream.indirect.scatter.add.f32 @!p1 [tilespmem:s17], [sflag:$0x1], $0x80, s14, s13, $0xb8;
	[tilespmem:$0x1DD00] =	vst v63  }
0x3e: {  	s14 =	sadd.s32 $0x100, s12;
	s13 =	sadd.s32 $0x8000, s11;
	_ =	swait.ge @!p1 [sflag:s16], $0x4000  }
.LBB2_4:
0x3f: {  	s17 =	simm.s32 @!p2 $0x0  }
0x40: {  	s18 =	simm.s32 @!p2 $0x19C80;
	[sflag:s16] =	ssyncset.done @!p1 $0x0;
	s19 =	smov.u32 s15  }
0x41: {  	s15 =	sadd.s32 $0x10, s15;
	s20 =	simm.s32 @!p2 $0x2;
	[sflag:s16] =	ssyncadd.s32 @!p1 $0xFFFFC000  }
0x42: {  	[tilespmem:s18], [sflag:$0x2] =	stream.linear.gather @!p2 [hbm4b:s14+s17], $0x80, $0x38;
	[tilespmem:$0x1DD00] =	vst v63  }
0x43: {  	p3 =	sne.s32 s15, $0x4F0;
	p1 =	por p2, p2;
	_ =	swait.ge @!p2 [sflag:s20], $0x80  }
0x44: {  	[sflag:s20] =	ssyncset.done @!p1 $0x0  }
0x45: {  	s21 =	simm.s32 @!p1 $0x19D00;
	[sflag:s20] =	ssyncadd.s32 @!p1 $0xFFFFFF80  }
0x46: {  	[tilespmem:s21], [sflag:$0x2] =	stream.linear.gather @!p1 [hbm4b:s13+s17], $0x4000, $0x38;
	[tilespmem:$0x1DD00] =	vst v63  }
.Ltmp1:
0x47: {  	_ =	swait.ge @!p1 [sflag:s20], $0x4000;
	(pc) =	sbr.rel @p3 .LBB2_4-.Ltmp1, $4  }
0x48: {  	s16 =	simm.s32 @!p1 $0x1;
	s14 =	sadd.s32 $0x100, s14;
	[sflag:s20] =	ssyncset.done @!p1 $0x0  }
0x49: {  	s17 =	sadd.s32 s19, s2;
	s19 =	simm.s32 @!p1 $0x80;
	[sflag:s20] =	ssyncadd.s32 @!p1 $0xFFFFC000  }
0x4a: {  	[spmem:s1] =	stream.indirect.scatter.add.f32 @!p1 [tilespmem:s21], [sflag:$0x1], $0x80, s18, s19, $0xb8;
	[tilespmem:$0x1DD00] =	vst v63  }
0x4b: {  	s13 =	sadd.s32 $0x8000, s13;
	p2 =	sgt.u32 s17, $0x4E1;
	_ =	swait.ge @!p1 [sflag:s16], $0x4000  }
0x4c: {  	s15 =	simm.s32 @!p2 $0x0;
	[sflag:s16] =	ssyncset.done @!p1 $0x0  }
0x4d: {  	s17 =	simm.s32 @!p2 $0x19C80;
	s18 =	simm.s32 @!p2 $0x2;
	[sflag:s16] =	ssyncadd.s32 @!p1 $0xFFFFC000  }
0x4e: {  	[tilespmem:s17], [sflag:$0x2] =	stream.linear.gather @!p2 [hbm4b:s14+s15], $0x80, $0x38;
	[tilespmem:$0x1DD00] =	vst v63  }
0x4f: {  	p1 =	por p2, p2;
	_ =	swait.ge @!p2 [sflag:s18], $0x80  }
0x50: {  	[sflag:s18] =	ssyncset.done @!p1 $0x0  }
0x51: {  	s14 =	simm.s32 @!p1 $0x19D00;
	[sflag:s18] =	ssyncadd.s32 @!p1 $0xFFFFFF80  }
0x52: {  	[tilespmem:s14], [sflag:$0x2] =	stream.linear.gather @!p1 [hbm4b:s13+s15], $0x4000, $0x38;
	[tilespmem:$0x1DD00] =	vst v63  }
0x53: {  	_ =	swait.ge @!p1 [sflag:s18], $0x4000  }
0x54: {  	[sflag:s18] =	ssyncset.done @!p1 $0x0  }
0x55: {  	s13 =	simm.s32 @!p1 $0x1;
	s15 =	simm.s32 @!p1 $0x80;
	[sflag:s18] =	ssyncadd.s32 @!p1 $0xFFFFC000  }
0x56: {  	[spmem:s1] =	stream.indirect.scatter.add.f32 @!p1 [tilespmem:s14], [sflag:$0x1], $0x80, s17, s15, $0xb8;
	[tilespmem:$0x1DD00] =	vst v63  }
0x57: {  	_ =	swait.ge @!p1 [sflag:s13], $0x4000  }
0x58: {  	s3 =	sadd.s32 $0x1, s3;
	[sflag:s13] =	ssyncset.done @!p1 $0x0  }
0x59: {  	s14 =	sshrl.u32 @!p0 s5, $0x3;
	[sflag:s13] =	ssyncadd.s32 @!p1 $0xFFFFC000;
	s13 =	sshll.u32 @!p0 s2, $0x6  }
0x5a: {  	p1 =	sne.s32 s3, s6;
	[bflag:$0x0] =	sbarrier.arrive $0xFFFF;
	s13 =	sor.u32 @!p0 $0x1C01, s13  }
0x5b: {  	[hbm:s4], [sflag:s13] =	dma.local @!p0 [spmem:s14], $0x3E80  }
.Ltmp2:
0x5c: {  	_ = 	snop;
	(pc) =	sbr.rel @p1 .LBB2_1-.Ltmp2, $4  }
0x5d: {  	s13 =	simm.s32 @!p0 $0x1  }
0x5e: {  	_ =	swait.ge @!p0 [sflag:s13], $0x3E80  }
0x5f: {  	[sflag:s13] =	ssyncset.done @!p0 $0x0  }
0x60: {  	[sflag:s13] =	ssyncadd.s32 @!p0 $0xFFFFC180  }
0x61: {  	_ =	sfence.sel $0x180000  }
0x62: {  	[bflag:$0x0] =	sbarrier.arrive $0xFFFF  }
0x63: {  	p0 =	sne.s32 s2, $0x0;
	_ =	strace $0x9000004A  }
0x64: {  	s0 =	sadd.s32 @!p0 $0x100000, s0;
	[bflag:$0x2] =	sbarrier.arrive $0xFFFF  }
0x65: {  	[sflag:s0] =	ssyncadd.tile.s32 @!p0 $0x1;
	_ =	shalt  }
.Lfunc_end2:
_tile_overlayer_lowered:
.L_overlay_start_2:
0x66: {  	(tag) =	ssettag $0x2  }
0x67: {  	s0 =	rddreg [dreg:$0x0];
	s2 =	stileid.u32  }
0x68: {  	s1 =	rddreg [dreg:$0x1];
	p0 =	sne.s32 s2, $0x0  }
0x69: {  	s3 =	rddreg [dreg:$0x2];
	[bflag:$0x3] =	sbarrier.arrive $0xFFFF;
	s2 =	simm.s32 @!p0 $0x1C01  }
0x6a: {  	[timem:s3], [sflag:s2] =	dma.local @!p0 [hbm:s0], s1  }
0x6b: {  	s0 =	simm.s32 @!p0 $0x1  }
0x6c: {  	_ =	swait.ge @!p0 [sflag:s0], s1  }
0x6d: {  	s1 =	ssub.s32 @!p0 $0x0, s1;
	[sflag:s0] =	ssyncset.done @!p0 $0x0  }
0x6e: {  	[sflag:s0] =	ssyncadd.s32 @!p0 s1  }
0x6f: {  	[bflag:$0x3] =	sbarrier.arrive $0xFFFF  }
0x70: {  	_ =	shalt  }

// kernel: kernel.7.cloned.1.call-start
scs
__scs_entry_jumppad:
0x0: {  	(pc) =	sbr.rel $0x88, $3  }
0x1: {  	(tag) =	ssettag $0x0;
	lr =	simm.s32 $0x1  }
0x2: {  	[smem:$0x3F92] =	sst lr;
	_ =	strace $0xD0000000  }
0x3: {  	_ = 	snop  }
0x4: {  	_ = 	snop  }
0x5: {  	_ = 	snop  }
0x6: {  	_ = 	snop  }
0x7: {  	_ = 	snop  }
__scs_overlays_trampoline_lowered:
0x8: {  	[smem:$0x3FA1] =	sst s0  }
0x9: {  	[smem:$0x3FA2] =	sst s1  }
0xa: {  	[smem:$0x3FA3] =	sst s2  }
0xb: {  	[smem:$0x3FA4] =	sst s3  }
0xc: {  	[smem:$0x3FA5] =	sst s4  }
0xd: {  	[smem:$0x3FA6] =	sst s5  }
0xe: {  	[smem:$0x3FA7] =	sst s6  }
0xf: {  	[smem:$0x3FA8] =	sst s7  }
0x10: {  	[smem:$0x3FA9] =	sst s8  }
0x11: {  	[smem:$0x3FAA] =	sst s9;
	s0 =	simm.s32 @!p0 $0x0  }
0x12: {  	s1 =	sld [smem:$0x3F90];
	s0 =	simm.s32 @p0 $0x1  }
0x13: {  	[smem:$0x3FAB] =	sst s0;
	s0 =	simm.s32 @!p1 $0x0  }
0x14: {  	s2 =	sld [smem:$0x3F8F];
	s0 =	simm.s32 @p1 $0x1  }
0x15: {  	[smem:$0x3FAC] =	sst s0;
	s0 =	simm.s32 @!p2 $0x0  }
0x16: {  	s3 =	sld [smem:$0x3FDB];
	s0 =	simm.s32 @p2 $0x1  }
0x17: {  	s4 =	simm.s32 $0x1BF5;
	[smem:$0x3FAE] =	sst s0  }
0x18: {  	s0 =	sld [smem:$0x3F91];
	_ =	swait.ge [sflag:s4], $0x0  }
0x19: {  	s7 =	sld [smem:$0x3F92]  }
0x1a: {  	s8 =	sadd.s32 $0xFFFFE003, lr  }
0x1b: {  	s9 =	sadd.s32 $0xFFFFFEF7, lr;
	s5 =	simm.s32 $0xFFFFFFFF;
	p2 =	slt.u32 s8, $0xFFFFF086  }
0x1c: {  	p1 =	slt.u32 s9, $0xF7A;
	s5 =	simm.s32 @!p2 $0x0  }
0x1d: {  	s5 =	simm.s32 @p1 $0x1;
	p0 =	seq.s32 s7, s2  }
0x1e: {  	s7 =	smul.u32 @!p0 $0xF7A, s2;
	p2 =	seq.s32 @!p0 s5, $0x0  }
0x1f: {  	s9 =	smul.u32 $0xF7A, s1;
	s8 =	simm.s32 @!p0 $0x1BF5;
	p2 =	por !p2, p0  }
0x20: {  	[sflag:s8] =	ssyncset.s32 @!p0 $0xFFFFF086;
	s6 =	sadd.s32 @!p0 s3, s7;
	s7 =	simm.s32 @!p0 $0x108  }
0x21: {  	s3 =	sadd.s32 s3, s9;
	s6 =	sadd.s32 @!p0 $0x88, s6;
	s7 =	simm.s32 @p2 $0x1082  }
0x22: {  	[simem:s7], [sflag:s8] =	dma.local @!p0 [hbm:s6], $0xF7A  }
0x23: {  	s9 =	sor.u32 $0xD0000000, s2;
	s6 =	simm.s32 $0x108;
	_ =	swait.ge @!p0 [sflag:s8], $0x0  }
0x24: {  	s3 =	sadd.s32 $0x88, s3;
	s6 =	simm.s32 @!p1 $0x1082;
	[sflag:s4] =	ssyncset.s32 $0xFFFFF086  }
0x25: {  	[simem:s6], [sflag:s4] =	dma.local [hbm:s3], $0xF7A  }
0x26: {  	[smem:$0x3F92] =	sst s1;
	(tag) =	ssettag s2;
	_ =	strace s9  }
0x27: {  	s1 =	sld [smem:$0x3FA2]  }
0x28: {  	s2 =	sld [smem:$0x3FA3]  }
0x29: {  	s4 =	sld [smem:$0x3FA5]  }
0x2a: {  	p0 =	seq.s32 s5, $0x0;
	s5 =	sld [smem:$0x3FA6]  }
0x2b: {  	s6 =	sld [smem:$0x3FA7]  }
0x2c: {  	s7 =	sld [smem:$0x3FA8]  }
0x2d: {  	s3 =	simm.s32 $0x108;
	s8 =	sld [smem:$0x3FA9]  }
0x2e: {  	s3 =	simm.s32 @!p0 $0x1082;
	s9 =	sld [smem:$0x3FAA]  }
0x2f: {  	lr =	sadd.s32 s0, s3;
	s0 =	sld [smem:$0x3FA1]  }
0x30: {  	s3 =	sld [smem:$0x3FA4]  }
0x31: {  	[smem:$0x3FAD] =	sst s10  }
0x32: {  	s10 =	sld [smem:$0x3FAB];
	_ =	sdelay $0x3  }
0x33: {  	p0 =	seq.s32 s10, $0x1;
	s10 =	sld [smem:$0x3FAD];
	_ =	sdelay $0x3  }
0x34: {  	[smem:$0x3FAD] =	sst s10  }
0x35: {  	s10 =	sld [smem:$0x3FAC];
	_ =	sdelay $0x3  }
0x36: {  	p1 =	seq.s32 s10, $0x1;
	s10 =	sld [smem:$0x3FAD];
	_ =	sdelay $0x3  }
0x37: {  	[smem:$0x3FAD] =	sst s10  }
0x38: {  	s10 =	sld [smem:$0x3FAE]  }
0x39: {  	_ = 	snop;
	(pc) =	sbr.ind lr, $3  }
0x3a: {  	_ = 	snop  }
0x3b: {  	_ = 	snop  }
0x3c: {  	p2 =	seq.s32 s10, $0x1;
	s10 =	sld [smem:$0x3FAD]  }
0x3d: {  	_ =	shalt  }
0x3e: {  	_ =	shalt  }
0x3f: {  	_ =	shalt  }
0x40: {  	_ =	shalt  }
0x41: {  	_ =	shalt  }
0x42: {  	_ =	shalt  }
0x43: {  	_ =	shalt  }
0x44: {  	_ =	shalt  }
0x45: {  	_ =	shalt  }
0x46: {  	_ =	shalt  }
0x47: {  	_ =	shalt  }
0x48: {  	_ =	shalt  }
0x49: {  	_ =	shalt  }
0x4a: {  	_ =	shalt  }
0x4b: {  	_ =	shalt  }
0x4c: {  	_ =	shalt  }
0x4d: {  	_ =	shalt  }
0x4e: {  	_ =	shalt  }
0x4f: {  	_ =	shalt  }
0x50: {  	_ =	shalt  }
0x51: {  	_ =	shalt  }
0x52: {  	_ =	shalt  }
0x53: {  	_ =	shalt  }
0x54: {  	_ =	shalt  }
0x55: {  	_ =	shalt  }
0x56: {  	_ =	shalt  }
0x57: {  	_ =	shalt  }
0x58: {  	_ =	shalt  }
0x59: {  	_ =	shalt  }
0x5a: {  	_ =	shalt  }
0x5b: {  	_ =	shalt  }
0x5c: {  	_ =	shalt  }
0x5d: {  	_ =	shalt  }
0x5e: {  	_ =	shalt  }
0x5f: {  	_ =	shalt  }
0x60: {  	_ =	shalt  }
0x61: {  	_ =	shalt  }
0x62: {  	_ =	shalt  }
0x63: {  	_ =	shalt  }
0x64: {  	_ =	shalt  }
0x65: {  	_ =	shalt  }
0x66: {  	_ =	shalt  }
0x67: {  	_ =	shalt  }
0x68: {  	_ =	shalt  }
0x69: {  	_ =	shalt  }
0x6a: {  	_ =	shalt  }
0x6b: {  	_ =	shalt  }
0x6c: {  	_ =	shalt  }
0x6d: {  	_ =	shalt  }
0x6e: {  	_ =	shalt  }
0x6f: {  	_ =	shalt  }
0x70: {  	_ =	shalt  }
0x71: {  	_ =	shalt  }
0x72: {  	_ =	shalt  }
0x73: {  	_ =	shalt  }
0x74: {  	_ =	shalt  }
0x75: {  	_ =	shalt  }
0x76: {  	_ =	shalt  }
0x77: {  	_ =	shalt  }
0x78: {  	_ =	shalt  }
0x79: {  	_ =	shalt  }
0x7a: {  	_ =	shalt  }
0x7b: {  	_ =	shalt  }
0x7c: {  	_ =	shalt  }
0x7d: {  	_ =	shalt  }
0x7e: {  	_ =	shalt  }
0x7f: {  	_ =	shalt  }
0x80: {  	_ =	shalt  }
0x81: {  	_ =	shalt  }
0x82: {  	_ =	shalt  }
0x83: {  	_ =	shalt  }
0x84: {  	_ =	shalt  }
0x85: {  	_ =	shalt  }
0x86: {  	_ =	shalt  }
0x87: {  	_ =	shalt  }
.Lfunc_end0:
.L_simem_size_0:
called_computation_lowered:
.L_overlay_start_0:
0x88: {  	s2 =	sld [smem:$0x3FD9]  }
0x89: {  	s3 =	sld [smem:$0x3FFE];
	_ =	sdelay $0x1  }
0x8a: {  	s1 =	srdreg.scid  }
0x8b: {  	s0 =	sand.u32 $0x1, s1  }
0x8c: {  	s14 =	sshll.u32 s0, $0xA;
	s2 =	sadd.s32 s3, s2  }
0x8d: {  	s2 =	sadd.s32 s2, s14  }
0x8e: {  	[smem:$0x3FB9] =	sst s2  }
0x8f: {  	_ = 	snop  }
0x90: {  	s2 =	sld [smem:$0x3FD0];
	_ =	sdelay $0x2  }
0x91: {  	s15 =	simm.s32 $0xA;
	s4 =	simm.s32 $0x10  }
0x92: {  	[smem:s4], [sflag:s15] =	dma.local [hbm:s2], $0x1  }
0x93: {  	_ =	swait.eq [sflag:s15], $0x1  }
0x94: {  	[sflag:s15] =	ssyncset.done $0x0  }
0x95: {  	s16 =	sld [smem:$0x10];
	[sflag:s15] =	ssyncadd.s32 $0xFFFFFFFF  }
0x96: {  	s17 =	sld [smem:$0x11];
	(tm) =	ssettm $0x1  }
0x97: {  	s18 =	sld [smem:$0x3FFB];
	_ =	sdelay $0x3  }
0x98: {  	_ =	strace s18  }
0x99: {  	s4 =	sld [smem:$0x3FFC];
	_ =	sdelay $0x3  }
0x9a: {  	_ =	strace s4  }
0x9b: {  	s4 =	sld [smem:$0x3FFD];
	_ =	sdelay $0x3  }
0x9c: {  	_ =	strace s4  }
0x9d: {  	_ =	strace $0x8FFFFFFF  }
0x9e: {  	s19 =	sld [smem:$0x3FDB];
	_ =	sdelay $0x1  }
0x9f: {  	s5 =	simm.s32 $_scs_section_size  }
0xa0: {  	s6 =	simm.s32 $_size__tile_overlayer_lowered;
	s7 =	simm.s32 $_tile_overlayer_lowered  }
0xa1: {  	s22 =	simm.s32 $0x1BFF;
	s21 =	sshll.u32 s7, $0x1;
	s4 =	sadd.s32 s5, s19  }
0xa2: {  	s8 =	simm.s32 $0x0;
	s20 =	sshll.u32 s6, $0x1;
	s6 =	sadd.s32 s21, s4  }
0xa3: {  	[timem:s8], [sflag:s22] =	dma.local [hbm:s6], s20  }
0xa4: {  	_ =	swait.ge [sflag:s22], s20  }
0xa5: {  	s5 =	ssub.s32 $0x0, s20;
	[sflag:s22] =	ssyncset.done $0x0  }
0xa6: {  	[sflag:s22] =	ssyncadd.s32 s5;
	_ =	sdelay $0x1  }
0xa7: {  	s23 =	simm.s32 $0x1B8B  }
0xa8: {  	_ =	swait.ge [sflag:s23], $0x1  }
0xa9: {  	[sflag:s23] =	ssyncset.done $0x0  }
0xaa: {  	s25 =	simm.s32 $0x1B8E;
	s24 =	sld [smem:$0x3FFE];
	[sflag:s23] =	ssyncadd.s32 $0xFFFFFFFF  }
0xab: {  	s26 =	simm.s32 $execute0_lowered;
	[smem:$0x3FD2] =	sst s25  }
0xac: {  	s6 =	sshll.u32 s26, $0x1;
	_ =	strace $0x80000046;
	[dreg:$0x1] =	wrdreg $0xFFFFFFFF  }
0xad: {  	s28 =	simm.s32 $_size_execute0_lowered;
	s4 =	sadd.s32 s4, s6;
	[dreg:$0x0] =	wrdreg $0x0  }
0xae: {  	s6 =	sshll.u32 s28, $0x1;
	[dreg:$0x2] =	wrdreg s4  }
0xaf: {  	[dreg:$0x3] =	wrdreg s6  }
0xb0: {  	[dreg:$0x4] =	wrdreg $0xC0  }
0xb1: {  	_ =	task [dreg:s8], $0x5FFFF  }
0xb2: {  	[dreg:$0x1] =	wrdreg $0xFFFFFFFF  }
0xb3: {  	[dreg:$0x0] =	wrdreg $0x60  }
0xb4: {  	[dreg:$0x2] =	wrdreg s16  }
0xb5: {  	[dreg:$0x3] =	wrdreg s17  }
0xb6: {  	[dreg:$0x4] =	wrdreg s24  }
0xb7: {  	[dreg:$0x5] =	wrdreg $0x9  }
0xb8: {  	_ =	task.clear_ibuf [dreg:s8], $0x6FFFF;
	_ =	strace $0x90000046  }
0xb9: {  	s29 =	simm.s32 $0x9;
	_ =	strace $0x80000048  }
0xba: {  	_ =	swait.ge [sflag:s29], $0x1  }
0xbb: {  	[sflag:s29] =	ssyncadd.s32 $0xFFFFFFFF  }
0xbc: {  	_ =	strace $0x90000048  }
0xbd: {  	_ =	sfence  }
0xbe: {  	s30 =	sld [smem:$0x0];
	_ =	sdelay $0x2  }
0xbf: {  	s31 =	sshll.u32 s1, $0xD;
	s1 =	sshrl.u32 s1, $0x2  }
0xc0: {  	s3 =	sand.u32 $0x4000, s31;
	s1 =	sadd.s32 s1, s30  }
0xc1: {  	s0 =	sor.u32 s3, s0;
	s1 =	sshll.u32 s1, $0x11  }
0xc2: {  	s0 =	sor.u32 s1, s0  }
0xc3: {  	s0 =	sadd.s32 $0x8F2B, s0  }
0xc4: {  	[sflag:s0] =	ssyncadd.remote.s32 $0x1  }
0xc5: {  	_ =	sfence.sel $0xFFFF  }
0xc6: {  	[dreg:$0x0] =	wrdreg $0xFFFFFFFF;
	(pc) =	sbr.abs _section_cstart, $3  }
0xc7: {  	[dreg:$0x1] =	wrdreg $0xFFFFFFFF  }
0xc8: {  	_ =	task.clear_ibuf [dreg:s8], $0x2FFFF;
	_ =	strace $0x9FFFFFFF  }
0xc9: {  	(tm) =	ssettm $0x7FFFFFFF  }
tec
execute0_lowered:
.L_overlay_start_1:
0x0: {  	(tag) =	ssettag $0x1  }
0x1: {  	s1 =	rddreg [dreg:$0x0]  }
0x2: {  	s2 =	rddreg [dreg:$0x1]  }
0x3: {  	s5 =	rddreg [dreg:$0x2]  }
0x4: {  	s0 =	rddreg [dreg:$0x3];
	s4 =	simm.s32 $0x0;
	s6 =	srdreg.scid  }
0x5: {  	s3 =	stileid.u32;
	[smem:$0x7FF] =	sst s4;
	s6 =	sand.u32 $0x1, s6  }
0x6: {  	s7 =	sshll.u32 s3, $0x5;
	s9 =	sshll.u32 s3, $0xC;
	_ =	strace $0x80000047  }
0x7: {  	s8 =	ssub.s32 $0x2, s6;
	s7 =	sadd.s32 s7, s5;
	s9 =	sadd.s32 s9, s5  }
0x8: {  	s31 =	sshll.u32 s6, $0x4;
	s11 =	sshll.u32 s6, $0xB;
	s10 =	sshrl.u32 s8, $0x1  }
0x9: {  	s5 =	sshll.u32 s3, $0x1;
	s11 =	sadd.s32 s11, s9;
	s8 =	ssub.s32 s8, s10  }
0xa: {  	s10 =	sadd.s32 s31, s7;
	s9 =	sadd.s32 $0x4F8C00, s11;
	s6 =	smax.u32 s8, $0x1  }
0xb: {  	s7 =	sadd.s32 $0xCE00, s10;
	s8 =	sadd.s32 $0x3000, s10;
	s10 =	sadd.s32 $0x16C00, s11  }
.LBB2_1:
0xc: {  	p0 =	sgt.u32 s5, $0x9C3  }
0xd: {  	s11 =	sadd.s32 @!p0 $0x0, s8;
	s12 =	simm.s32 @!p0 $0x0;
	s15 =	simm.s32 @!p0 $0x4  }
0xe: {  	[tilespmem:s12], [sflag:$0x4] =	stream.linear.gather @!p0 [hbm4b:s11+s12], $0x80, $0x38;
	[tilespmem:$0x8100] =	vst v63  }
0xf: {  	_ =	swait.ge @!p0 [sflag:s15], $0x80;
	p0 =	por p0, p0  }
0x10: {  	[sflag:s15] =	ssyncset.done @!p0 $0x0  }
0x11: {  	s11 =	sadd.s32 @!p0 $0x0, s7;
	s13 =	simm.s32 @!p0 $0x80;
	[sflag:s15] =	ssyncadd.s32 @!p0 $0xFFFFFF80  }
0x12: {  	[tilespmem:s13], [sflag:$0x4] =	stream.linear.gather @!p0 [hbm4b:s11+s12], $0x80, $0x38;
	[tilespmem:$0x8100] =	vst v63  }
0x13: {  	_ =	swait.ge @!p0 [sflag:s15], $0x80  }
0x14: {  	[sflag:s15] =	ssyncset.done @!p0 $0x0  }
0x15: {  	s11 =	simm.s32 @!p0 $0x100;
	[sflag:s15] =	ssyncadd.s32 @!p0 $0xFFFFFF80  }
0x16: {  	[tilespmem:s11], [sflag:$0x1] =	stream.indirect.gather @!p0 [hbm4b:s1+s13], $0x80, s12, s13, $0xb8;
	[tilespmem:$0x8100] =	vst v63  }
0x17: {  	s16 =	simm.s32 @!p0 $0x4100;
	s14 =	simm.s32 @!p0 $0x1  }
0x18: {  	[tilespmem:s16], [sflag:$0x2] =	stream.indirect.gather @!p0 [hbm4b:s2+s13], $0x80, s13, s13, $0xb8;
	[tilespmem:$0x8100] =	vst v63  }
0x19: {  	_ =	swait.ge @!p0 [sflag:s14], $0x4000  }
0x1a: {  	[sflag:s14] =	ssyncset.done @!p0 $0x0  }
0x1b: {  	s13 =	simm.s32 @!p0 $0x2;
	[sflag:s14] =	ssyncadd.s32 @!p0 $0xFFFFC000  }
0x1c: {  	_ =	swait.ge @!p0 [sflag:s13], $0x4000  }
0x1d: {  	[sflag:s13] =	ssyncset.done @!p0 $0x0  }
0x1e: {  	[sflag:s13] =	ssyncadd.s32 @!p0 $0xFFFFC000  }
0x1f: {  	[hbm4b:s10+s12] =	stream.linear.scatter @!p0 [tilespmem:s11], [sflag:$0x4], $0x4000, $0x38;
	[tilespmem:$0x8100] =	vst v63  }
0x20: {  	_ =	swait.ge @!p0 [sflag:s15], $0x4000  }
0x21: {  	[sflag:s15] =	ssyncset.done @!p0 $0x0  }
0x22: {  	s14 =	simm.s32 $0x400;
	s13 =	simm.s32 $0x200;
	[sflag:s15] =	ssyncadd.s32 @!p0 $0xFFFFC000  }
0x23: {  	[hbm4b:s9+s12] =	stream.linear.scatter @!p0 [tilespmem:s16], [sflag:$0x3], $0x4000, $0x38;
	[tilespmem:$0x8100] =	vst v63  }
0x24: {  	s11 =	sadd.s32 $0x10000, s10;
	s15 =	sadd.s32 $0x20, s5;
	s16 =	simm.s32 @!p0 $0x3  }
0x25: {  	p2 =	sgt.u32 s15, $0x9C3;
	s12 =	sadd.s32 $0x10000, s9;
	_ =	swait.ge @!p0 [sflag:s16], $0x4000  }
.LBB2_2:
0x26: {  	s17 =	sadd.s32 @!p2 s13, s8  }
0x27: {  	s18 =	simm.s32 @!p2 $0x0;
	[sflag:s16] =	ssyncset.done @!p0 $0x0;
	s19 =	smov.u32 s14  }
0x28: {  	s14 =	sadd.s32 $0x200, s14;
	s20 =	simm.s32 @!p2 $0x4;
	[sflag:s16] =	ssyncadd.s32 @!p0 $0xFFFFC000  }
0x29: {  	[tilespmem:s18], [sflag:$0x4] =	stream.linear.gather @!p2 [hbm4b:s17+s18], $0x80, $0x38;
	[tilespmem:$0x8100] =	vst v63  }
0x2a: {  	p1 =	sne.s32 s14, $0x9E00;
	p0 =	por p2, p2;
	_ =	swait.ge @!p2 [sflag:s20], $0x80  }
0x2b: {  	[sflag:s20] =	ssyncset.done @!p0 $0x0  }
0x2c: {  	s13 =	sadd.s32 @!p0 s13, s7;
	s16 =	simm.s32 @!p0 $0x80;
	[sflag:s20] =	ssyncadd.s32 @!p0 $0xFFFFFF80  }
0x2d: {  	[tilespmem:s16], [sflag:$0x4] =	stream.linear.gather @!p0 [hbm4b:s13+s18], $0x80, $0x38;
	[tilespmem:$0x8100] =	vst v63  }
0x2e: {  	s13 =	smov.u32 s19;
	_ =	swait.ge @!p0 [sflag:s20], $0x80  }
0x2f: {  	[sflag:s20] =	ssyncset.done @!p0 $0x0  }
0x30: {  	s17 =	simm.s32 @!p0 $0x100;
	[sflag:s20] =	ssyncadd.s32 @!p0 $0xFFFFFF80  }
0x31: {  	[tilespmem:s17], [sflag:$0x1] =	stream.indirect.gather @!p0 [hbm4b:s1+s16], $0x80, s18, s16, $0xb8;
	[tilespmem:$0x8100] =	vst v63  }
0x32: {  	s21 =	simm.s32 @!p0 $0x1;
	s19 =	simm.s32 @!p0 $0x4100  }
0x33: {  	[tilespmem:s19], [sflag:$0x2] =	stream.indirect.gather @!p0 [hbm4b:s2+s16], $0x80, s16, s16, $0xb8;
	[tilespmem:$0x8100] =	vst v63  }
0x34: {  	_ =	swait.ge @!p0 [sflag:s21], $0x4000  }
0x35: {  	[sflag:s21] =	ssyncset.done @!p0 $0x0  }
0x36: {  	s16 =	simm.s32 @!p0 $0x2;
	[sflag:s21] =	ssyncadd.s32 @!p0 $0xFFFFC000  }
0x37: {  	_ =	swait.ge @!p0 [sflag:s16], $0x4000  }
0x38: {  	[sflag:s16] =	ssyncset.done @!p0 $0x0  }
0x39: {  	[sflag:s16] =	ssyncadd.s32 @!p0 $0xFFFFC000  }
0x3a: {  	[hbm4b:s11+s18] =	stream.linear.scatter @!p0 [tilespmem:s17], [sflag:$0x4], $0x4000, $0x38;
	[tilespmem:$0x8100] =	vst v63  }
.Ltmp0:
0x3b: {  	_ =	swait.ge @!p0 [sflag:s20], $0x4000;
	(pc) =	sbr.rel @p1 .LBB2_2-.Ltmp0, $4  }
0x3c: {  	s11 =	sadd.s32 $0x10000, s11;
	[sflag:s20] =	ssyncset.done @!p0 $0x0  }
0x3d: {  	s15 =	sadd.s32 $0x20, s15;
	s16 =	simm.s32 @!p0 $0x3;
	[sflag:s20] =	ssyncadd.s32 @!p0 $0xFFFFC000  }
0x3e: {  	[hbm4b:s12+s18] =	stream.linear.scatter @!p0 [tilespmem:s19], [sflag:$0x3], $0x4000, $0x38;
	[tilespmem:$0x8100] =	vst v63  }
0x3f: {  	p2 =	sgt.u32 s15, $0x9C3;
	s12 =	sadd.s32 $0x10000, s12;
	_ =	swait.ge @!p0 [sflag:s16], $0x4000  }
0x40: {  	s14 =	sadd.s32 @!p2 s13, s8;
	[sflag:s16] =	ssyncset.done @!p0 $0x0  }
0x41: {  	s15 =	simm.s32 @!p2 $0x0;
	s17 =	simm.s32 @!p2 $0x4;
	[sflag:s16] =	ssyncadd.s32 @!p0 $0xFFFFC000  }
0x42: {  	[tilespmem:s15], [sflag:$0x4] =	stream.linear.gather @!p2 [hbm4b:s14+s15], $0x80, $0x38;
	[tilespmem:$0x8100] =	vst v63  }
0x43: {  	p0 =	por p2, p2;
	_ =	swait.ge @!p2 [sflag:s17], $0x80  }
0x44: {  	[sflag:s17] =	ssyncset.done @!p0 $0x0  }
0x45: {  	s13 =	sadd.s32 @!p0 s13, s7;
	s14 =	simm.s32 @!p0 $0x80;
	[sflag:s17] =	ssyncadd.s32 @!p0 $0xFFFFFF80  }
0x46: {  	[tilespmem:s14], [sflag:$0x4] =	stream.linear.gather @!p0 [hbm4b:s13+s15], $0x80, $0x38;
	[tilespmem:$0x8100] =	vst v63  }
0x47: {  	_ =	swait.ge @!p0 [sflag:s17], $0x80  }
0x48: {  	[sflag:s17] =	ssyncset.done @!p0 $0x0  }
0x49: {  	s13 =	simm.s32 @!p0 $0x100;
	[sflag:s17] =	ssyncadd.s32 @!p0 $0xFFFFFF80  }
0x4a: {  	[tilespmem:s13], [sflag:$0x1] =	stream.indirect.gather @!p0 [hbm4b:s1+s14], $0x80, s15, s14, $0xb8;
	[tilespmem:$0x8100] =	vst v63  }
0x4b: {  	s16 =	simm.s32 @!p0 $0x4100;
	s18 =	simm.s32 @!p0 $0x1  }
0x4c: {  	[tilespmem:s16], [sflag:$0x2] =	stream.indirect.gather @!p0 [hbm4b:s2+s14], $0x80, s14, s14, $0xb8;
	[tilespmem:$0x8100] =	vst v63  }
0x4d: {  	_ =	swait.ge @!p0 [sflag:s18], $0x4000  }
0x4e: {  	[sflag:s18] =	ssyncset.done @!p0 $0x0  }
0x4f: {  	s14 =	simm.s32 @!p0 $0x2;
	[sflag:s18] =	ssyncadd.s32 @!p0 $0xFFFFC000  }
0x50: {  	_ =	swait.ge @!p0 [sflag:s14], $0x4000  }
0x51: {  	[sflag:s14] =	ssyncset.done @!p0 $0x0  }
0x52: {  	[sflag:s14] =	ssyncadd.s32 @!p0 $0xFFFFC000  }
0x53: {  	[hbm4b:s11+s15] =	stream.linear.scatter @!p0 [tilespmem:s13], [sflag:$0x4], $0x4000, $0x38;
	[tilespmem:$0x8100] =	vst v63  }
0x54: {  	s4 =	sadd.s32 $0x1, s4;
	_ =	swait.ge @!p0 [sflag:s17], $0x4000  }
0x55: {  	p1 =	sne.s32 s4, s6;
	[sflag:s17] =	ssyncset.done @!p0 $0x0  }
.Ltmp1:
0x56: {  	s11 =	simm.s32 @!p0 $0x3;
	[sflag:s17] =	ssyncadd.s32 @!p0 $0xFFFFC000;
	(pc) =	sbr.rel @p1 .LBB2_1-.Ltmp1, $4  }
0x57: {  	[hbm4b:s12+s15] =	stream.linear.scatter @!p0 [tilespmem:s16], [sflag:$0x3], $0x4000, $0x38;
	[tilespmem:$0x8100] =	vst v63  }
0x58: {  	_ =	swait.ge @!p0 [sflag:s11], $0x4000  }
0x59: {  	[sflag:s11] =	ssyncset.done @!p0 $0x0  }
0x5a: {  	[sflag:s11] =	ssyncadd.s32 @!p0 $0xFFFFC000  }
0x5b: {  	_ =	sfence.sel $0x180000  }
0x5c: {  	[bflag:$0x0] =	sbarrier.arrive $0xFFFF  }
0x5d: {  	p0 =	sne.s32 s3, $0x0;
	_ =	strace $0x90000047  }
0x5e: {  	s0 =	sadd.s32 @!p0 $0x100000, s0;
	[bflag:$0x2] =	sbarrier.arrive $0xFFFF  }
0x5f: {  	[sflag:s0] =	ssyncadd.tile.s32 @!p0 $0x1;
	_ =	shalt  }
.Lfunc_end2:
_tile_overlayer_lowered:
.L_overlay_start_2:
0x60: {  	(tag) =	ssettag $0x2  }
0x61: {  	s0 =	rddreg [dreg:$0x0];
	s2 =	stileid.u32  }
0x62: {  	s1 =	rddreg [dreg:$0x1];
	p0 =	sne.s32 s2, $0x0  }
0x63: {  	s3 =	rddreg [dreg:$0x2];
	[bflag:$0x3] =	sbarrier.arrive $0xFFFF;
	s2 =	simm.s32 @!p0 $0x1C03  }
0x64: {  	[timem:s3], [sflag:s2] =	dma.local @!p0 [hbm:s0], s1  }
0x65: {  	s0 =	simm.s32 @!p0 $0x3  }
0x66: {  	_ =	swait.ge @!p0 [sflag:s0], s1  }
0x67: {  	s1 =	ssub.s32 @!p0 $0x0, s1;
	[sflag:s0] =	ssyncset.done @!p0 $0x0  }
0x68: {  	[sflag:s0] =	ssyncadd.s32 @!p0 s1  }
0x69: {  	[bflag:$0x3] =	sbarrier.arrive $0xFFFF  }
0x6a: {  	_ =	shalt  }

</sc_bundles>
